<compile_context>
chip_gen: v7x
topology: tpu7x:2x2x1
jax: 0.10.2.dev20260603
libtpu: 0.0.44.dev20260713+nightly
codegen_flags: <defaults>
</compile_context>

<pallas_src>
import functools

import jax
import jax.numpy as jnp
from jax import lax
from jax.experimental import pallas as pl
from jax.experimental.pallas import tpu as pltpu
from jax.experimental.pallas import tpu_sc as plsc

N = 4096
NBINS = 500
NQ = 400
BR = 128
NKEY = 512
NH = 3 * NKEY + 16
DEAD = 3 * NKEY

NC, NS, NL = 2, 16, 16
NW = NC * NS
TOTAL = N * N
CHUNK = TOTAL // NW
SUB = 32768
NSUB = CHUNK // SUB


def _pairs_kernel(row_ref, col_ref, tab_ref, par_ref, keys_ref, qout_ref):
    L = par_ref[0, 0].astype(jnp.bfloat16).astype(jnp.float32)
    r0 = par_ref[0, 1]
    dr = par_ref[0, 2]
    rlast = par_ref[0, 3]
    cutoff = par_ref[0, 4]

    fx_i = row_ref[:, 0:1]
    fy_i = row_ref[:, 1:2]
    fz_i = row_ref[:, 2:3]
    s_i = row_ref[:, 3:4]
    fx_j = col_ref[0:1, :]
    fy_j = col_ref[1:2, :]
    fz_j = col_ref[2:3, :]
    s_j = col_ref[3:4, :]

    def mimg(a, b):
        d = a - b
        d = d - jnp.round(d)
        return d.astype(jnp.bfloat16).astype(jnp.float32)

    dx = mimg(fx_i, fx_j) * L
    dy = mimg(fy_i, fy_j) * L
    dz = mimg(fz_i, fz_j) * L
    r = jnp.sqrt(dx * dx + dy * dy + dz * dz + 1e-12)

    rowoff = par_ref[0, 5].astype(jnp.int32)
    row_g = (rowoff + pl.program_id(0) * BR
             + lax.broadcasted_iota(jnp.int32, (BR, N), 0))
    col_g = lax.broadcasted_iota(jnp.int32, (BR, N), 1)
    eye = row_g == col_g

    idx = jnp.clip(jnp.floor((r - r0) / dr).astype(jnp.int32), 0, NBINS - 1)
    valid = (r >= r0) & (r < rlast + dr) & (col_g > row_g)
    cls = (s_i + s_j).astype(jnp.int32)
    key = idx + cls * NKEY
    keys_ref[...] = jnp.where(valid, key, DEAD)

    cur = r + jnp.where(eye | (s_j < 0.5), 1e6, 0.0)

    ux, uy, uz = [], [], []
    m3 = None
    for _ in range(4):
        mk = jnp.min(cur, axis=1, keepdims=True)
        m3 = mk
        jstar = jnp.min(jnp.where(cur == mk, col_g, N), axis=1, keepdims=True)
        hit = col_g == jstar
        oh = hit.astype(jnp.float32)
        g = jax.lax.dot_general(
            oh, tab_ref[...], (((1,), (0,)), ((), ())),
            precision=jax.lax.Precision.HIGHEST,
            preferred_element_type=jnp.float32)
        cvx = mimg(g[:, 0:1], fx_i) * L
        cvy = mimg(g[:, 1:2], fy_i) * L
        cvz = mimg(g[:, 2:3], fz_i) * L
        nrm = jnp.sqrt(cvx * cvx + cvy * cvy + cvz * cvz) + 1e-12
        ux.append((cvx / nrm).astype(jnp.bfloat16).astype(jnp.float32))
        uy.append((cvy / nrm).astype(jnp.bfloat16).astype(jnp.float32))
        uz.append((cvz / nrm).astype(jnp.bfloat16).astype(jnp.float32))
        cur = jnp.where(hit, 1e9, cur)

    acc = jnp.zeros((BR, 1), jnp.float32)
    for a in range(4):
        for b in range(a + 1, 4):
            c = ux[a] * ux[b] + uy[a] * uy[b] + uz[a] * uz[b]
            acc = acc + (c + 1.0 / 3.0) ** 2
    qv = 1.0 - 0.375 * acc
    vrow = (s_i < 0.5) & (m3 < cutoff)
    qnum = jnp.where(vrow, qv, 0.0)
    qden = jnp.where(vrow, 1.0, 0.0)
    qout_ref[...] = jnp.concatenate(
        [qnum, qden, jnp.zeros((BR, 6), jnp.float32)], axis=1)


def _count_body(keys_hbm, out_hbm, buf, hist):
    nrows = keys_hbm.shape[0]
    rows_w = nrows // NW
    nsub = rows_w // 8
    wid = lax.axis_index("s") * NC + lax.axis_index("c")
    base = lax.iota(jnp.int32, NL) * NH
    ones = jnp.full((NL,), 1, jnp.int32)
    zer = jnp.zeros((NL,), jnp.int32)

    def zbody(j, _):
        hist[pl.ds(j * NL, NL)] = zer
        return 0
    lax.fori_loop(0, (NL * NH) // NL, zbody, 0)

    def sub(s, _):
        row0 = wid * rows_w + s * 8
        pltpu.sync_copy(keys_hbm.at[pl.ds(row0, 8), :], buf)

        def inner(i, _):
            for rr in range(8):
                k16 = buf[rr, pl.ds(i * NL, NL)]
                plsc.addupdate_scatter(hist, [base + k16], ones,
                                       mask=k16 < DEAD)
            return 0
        lax.fori_loop(0, N // NL, inner, 0)
        return 0
    lax.fori_loop(0, nsub, sub, 0)

    pltpu.sync_copy(hist, out_hbm.at[pl.ds(wid * NL * NH, NL * NH)])


def _final_kernel(cn0_ref, cn1_ref, cn2_ref, cn3_ref, rb_ref, qb_ref,
                  qo0_ref, qo1_ref, qo2_ref, qo3_ref, sp_ref, cell_ref,
                  par_ref, g_ref, t_ref, s_ref, qt_ref):
    b0 = par_ref[0, 0]
    b1 = par_ref[0, 1]
    dr = par_ref[0, 2]

    c00 = cell_ref[0, 0]
    c01 = cell_ref[0, 1]
    c02 = cell_ref[0, 2]
    c10 = cell_ref[1, 0]
    c11 = cell_ref[1, 1]
    c12 = cell_ref[1, 2]
    c20 = cell_ref[2, 0]
    c21 = cell_ref[2, 1]
    c22 = cell_ref[2, 2]
    vol = jnp.abs(c00 * (c11 * c22 - c12 * c21)
                  - c01 * (c10 * c22 - c12 * c20)
                  + c02 * (c10 * c21 - c11 * c20))
    n_f = jnp.float32(N)
    rho = n_f / vol

    n1 = jnp.sum(sp_ref[...]).astype(jnp.float32)
    bbar = (b0 * (n_f - n1) + b1 * n1) / n_f
    bbar2 = bbar * bbar

    cnt = (cn0_ref[...] + cn1_ref[...] + cn2_ref[...] + cn3_ref[...]
           ).astype(jnp.float32)
    tot = jnp.sum(cnt, axis=0, keepdims=True)
    c0 = tot[:, 0:NKEY]
    c1 = tot[:, NKEY:2 * NKEY]
    c2 = tot[:, 2 * NKEY:3 * NKEY]
    hist = 2.0 * (b0 * b0 * c0 + b0 * b1 * c1 + b1 * b1 * c2)

    rb = rb_ref[...]
    lane = lax.broadcasted_iota(jnp.int32, (1, NKEY), 1)
    live = lane < NBINS
    pi = jnp.float32(3.14159265358979323846)
    shell = 4.0 * pi * rb * rb * dr
    g = hist / (n_f * rho * jnp.where(live, shell, 1.0) * bbar2)
    g = jnp.where(live, g, 0.0)
    g_ref[...] = g
    t_ref[...] = 4.0 * pi * rb * rho * bbar2 * g

    q = qb_ref[...]
    integ = jnp.where(live, rb * (g - 1.0) * dr, 0.0)
    sq = jnp.sin(q * rb)
    s_ref[...] = 1.0 + (4.0 * pi * rho / q) * jnp.sum(
        sq * integ, axis=1, keepdims=True)

    qnum = (jnp.sum(qo0_ref[:, 0:1]) + jnp.sum(qo1_ref[:, 0:1])
            + jnp.sum(qo2_ref[:, 0:1]) + jnp.sum(qo3_ref[:, 0:1]))
    qden = (jnp.sum(qo0_ref[:, 1:2]) + jnp.sum(qo1_ref[:, 1:2])
            + jnp.sum(qo2_ref[:, 1:2]) + jnp.sum(qo3_ref[:, 1:2]))
    qt_ref[...] = jnp.full((1, 1), qnum / jnp.maximum(qden, 1.0), jnp.float32)


def _counts_sc(keys2d):
    mesh = plsc.VectorSubcoreMesh(core_axis_name="c", subcore_axis_name="s")
    run = functools.partial(
        pl.kernel, mesh=mesh,
        compiler_params=pltpu.CompilerParams(needs_layout_passes=False),
        out_type=jax.ShapeDtypeStruct((NW * NL * NH,), jnp.int32),
        scratch_types=[
            pltpu.VMEM((8, N), jnp.int32),
            pltpu.VMEM((NL * NH,), jnp.int32),
        ],
    )(_count_body)
    return run(keys2d)


def kernel(positions, cell, species, r_bins, q_bins, b_coh):
    L = cell[0, 0]
    frac = positions @ jnp.linalg.inv(cell)
    fx, fy, fz = frac[:, 0], frac[:, 1], frac[:, 2]
    s_f = species.astype(jnp.float32)

    rowpack = jnp.stack([fx, fy, fz, s_f] + [jnp.zeros((N,), jnp.float32)] * 4,
                        axis=1)
    colpack = jnp.stack([fx, fy, fz, s_f] + [jnp.zeros((N,), jnp.float32)] * 4,
                        axis=0)
    r0 = r_bins[0]
    dr = r_bins[1] - r_bins[0]

    NQROWS = N // 4
    counts_q = []
    qout_q = []
    for q in range(4):
        parA = jnp.stack([L, r0, dr, r_bins[-1], jnp.float32(3.5),
                          jnp.float32(q * NQROWS), jnp.float32(0),
                          jnp.float32(0)]).reshape(1, 8)
        keys, qout = pl.pallas_call(
            _pairs_kernel,
            grid=(NQROWS // BR,),
            in_specs=[
                pl.BlockSpec((BR, 8), lambda i: (i, 0)),
                pl.BlockSpec((8, N), lambda i: (0, 0)),
                pl.BlockSpec((N, 8), lambda i: (0, 0)),
                pl.BlockSpec((1, 8), lambda i: (0, 0)),
            ],
            out_specs=[
                pl.BlockSpec((BR, N), lambda i: (i, 0)),
                pl.BlockSpec((BR, 8), lambda i: (i, 0)),
            ],
            out_shape=[
                jax.ShapeDtypeStruct((NQROWS, N), jnp.int32),
                jax.ShapeDtypeStruct((NQROWS, 8), jnp.float32),
            ],
        )(rowpack[q * NQROWS:(q + 1) * NQROWS], colpack, rowpack, parA)
        counts_q.append(_counts_sc(keys))
        qout_q.append(qout)

    rb_pad = jnp.concatenate(
        [r_bins, jnp.zeros((NKEY - NBINS,), jnp.float32)]).reshape(1, NKEY)
    parC = jnp.stack([b_coh[0], b_coh[1], dr,
                      jnp.float32(0), jnp.float32(0), jnp.float32(0),
                      jnp.float32(0), jnp.float32(0)]).reshape(1, 8)

    g_p, t_p, s_p, qt = pl.pallas_call(
        _final_kernel,
        out_shape=[
            jax.ShapeDtypeStruct((1, NKEY), jnp.float32),
            jax.ShapeDtypeStruct((1, NKEY), jnp.float32),
            jax.ShapeDtypeStruct((NQ, 1), jnp.float32),
            jax.ShapeDtypeStruct((1, 1), jnp.float32),
        ],
    )(*[c.reshape(NW * NL, NH) for c in counts_q], rb_pad,
      q_bins.reshape(NQ, 1), *qout_q, species.reshape(8, N // 8), cell, parC)

    return g_p[0, :NBINS], t_p[0, :NBINS], s_p[:, 0], qt[0, 0]

# --- scband reference (transcript-rebuilt; emitter-appended) ---
"""Pipeline reference for scband-descriptor-model-23210003267919 (READ-ONLY COPY).

The authoritative reference and input builder live on the scoring server;
editing this copy changes nothing except your own understanding.
"""

import jax, jax.numpy as jnp
import numpy as np

N = 4096
NBINS = 500
NQ = 400
L = 30.0
CUTOFF = 3.5


def setup_inputs(seed: int = 0):
    key = jax.random.key(seed)
    k1, k2 = jax.random.split(key)
    positions = jax.random.uniform(k1, (N, 3), dtype=jnp.float32) * L
    cell = jnp.eye(3, dtype=jnp.float32) * L
    species = jax.random.randint(k2, (N,), 0, 2).astype(jnp.int32)
    r_bins = jnp.linspace(0.05, 10.0, NBINS, dtype=jnp.float32)
    q_bins = jnp.linspace(0.5, 25.0, NQ, dtype=jnp.float32)
    b_coh = jnp.array([4.1491, 5.803], dtype=jnp.float32)
    return {'positions': positions, 'cell': cell, 'species': species, 'r_bins': r_bins, 'q_bins': q_bins, 'b_coh': b_coh}


def _descriptors(positions, cell, r_bins, q_bins, b_coh, species):
    n = positions.shape[0]
    nbins = r_bins.shape[0]
    inv = jnp.linalg.inv(cell)
    frac = positions @ inv
    df = frac[:, None, :] - frac[None, :, :]
    df = df - jnp.round(df)
    dc = df @ cell
    r = jnp.sqrt(jnp.sum(dc * dc, axis=-1) + 1e-12)
    vol = jnp.abs(jnp.linalg.det(cell))
    rho = n / vol
    eye = jnp.eye(n, dtype=bool)
    b = b_coh[species]
    w = b[:, None] * b[None, :]
    r0 = r_bins[0]
    dr = r_bins[1] - r_bins[0]
    idx = jnp.clip(jnp.floor((r - r0) / dr).astype(jnp.int32), 0, nbins - 1)
    in_range = (r >= r0) & (r < r_bins[-1] + dr) & (~eye)
    wm = jnp.where(in_range, w, 0.0)
    hist = jnp.zeros((nbins,), jnp.float32).at[idx.ravel()].add(wm.ravel())
    bbar2 = jnp.mean(b) ** 2
    shell = 4.0 * jnp.pi * r_bins ** 2 * dr
    G_r = hist / (n * rho * shell * bbar2)
    T_r = 4.0 * jnp.pi * r_bins * rho * bbar2 * G_r
    qr = q_bins[:, None] * r_bins[None, :]
    S_Q = 1.0 + (4.0 * jnp.pi * rho / q_bins) * jnp.sum(r_bins[None, :] * (G_r[None, :] - 1.0) * jnp.sin(qr) * dr, axis=1)
    central = species == 0
    neigh = species == 1
    rmask = r + jnp.where(eye | (~neigh)[None, :], 1e6, 0.0)
    negv, nidx = jax.lax.top_k(-rmask, 4)
    fv = frac[nidx] - frac[:, None, :]
    fv = fv - jnp.round(fv)
    cv = fv @ cell
    u = cv / (jnp.linalg.norm(cv, axis=-1, keepdims=True) + 1e-12)
    cosm = jnp.einsum('nid,njd->nij', u, u)
    iu, ju = np.triu_indices(4, 1)
    cosp = cosm[:, iu, ju]
    qv = 1.0 - (3.0 / 8.0) * jnp.sum((cosp + 1.0 / 3.0) ** 2, axis=1)
    valid = central & (negv[:, 3] > -CUTOFF)
    q_tet = jnp.sum(jnp.where(valid, qv, 0.0)) / jnp.maximum(jnp.sum(valid), 1)
    return G_r, T_r, S_Q, q_tet


def reference(positions, cell, species, r_bins, q_bins, b_coh):
    return _descriptors(positions, cell, r_bins, q_bins, b_coh, species)

if __name__ == "__main__":
    import jax
    _d = setup_inputs()
    print(jax.jit(kernel)(*tuple(_d.values())))

</pallas_src>

<mosaic_0001>
#map = affine_map<(d0, d1) -> (0, 0)>
#map1 = affine_map<(d0, d1) -> (0)>
module attributes {stable_mosaic.version = 14 : i64} {
  func.func @_count_body(%arg0: i32, %arg1: i32, %arg2: memref<1024x4096xi32, #tpu.memory_space<hbm>>, %arg3: memref<794624xi32, #tpu.memory_space<hbm>>, %arg4: memref<8x4096xi32, #tpu.memory_space<vmem>>, %arg5: memref<24832xi32, #tpu.memory_space<vmem>>) attributes {dimension_semantics = [#tpu.dimension_semantics<core_parallel>, #tpu.dimension_semantics<subcore_parallel>], iteration_bounds = array<i64: 2, 16>, scalar_prefetch = 0 : i64, scratch_operands = 2 : i64, tpu.core_type = #tpu.core_type<sc_vector_subcore>, window_params = [{transform_indices = #map}, {transform_indices = #map1}]} {
    %mul3A = arith.constant 2 : i32
    %mul3A_0 = arith.muli %arg1, %mul3A : i32
    %add3A = arith.addi %mul3A_0, %arg0 : i32
    %iota3A = tpu.iota {dimensions = array<i32: 0>} : vector<16xi32>
    %mul3A_1 = arith.constant 1552 : i32
    %mul3A_2 = vector.broadcast %mul3A_1 : i32 to vector<16xi32>
    %mul3A_3 = arith.muli %iota3A, %mul3A_2 : vector<16xi32>
    %broadcast_in_dim3A = arith.constant 1 : i32
    %broadcast_in_dim3A_4 = vector.broadcast %broadcast_in_dim3A : i32 to vector<16xi32>
    %broadcast_in_dim3A_5 = arith.constant 0 : i32
    %broadcast_in_dim3A_6 = vector.broadcast %broadcast_in_dim3A_5 : i32 to vector<16xi32>
    %scan3A = arith.constant 0 : i32
    %scan3A_7 = arith.constant 0 : i32
    %scan3A_8 = arith.constant 1552 : i32
    %scan3A_9 = arith.addi %scan3A_7, %scan3A_8 : i32
    %scan3A_10 = arith.constant 1 : i32
    %scan3A_11 = scf.for %scan3A_24 = %scan3A_7 to %scan3A_9 step %scan3A_10 iter_args(%scan3A_25 = %scan3A) -> (i32)  : i32 {
      %mul3A_26 = arith.constant 16 : i32
      %mul3A_27 = arith.muli %scan3A_24, %mul3A_26 : i32
      %swap3A = arith.index_cast %mul3A_27 : i32 to index
      %swap3A_28 = tpu.vector_load %arg5[%swap3A] {strides = array<i32>} : memref<24832xi32, #tpu.memory_space<vmem>>, vector<16xi32>,
      tpu.vector_store %arg5[%swap3A], %broadcast_in_dim3A_6 {strides = array<i32>} : memref<24832xi32, #tpu.memory_space<vmem>>, vector<16xi32>,
      %scan3A_29 = arith.constant 0 : i32
      scf.yield %scan3A_29 : i32
    }
    %scan3A_12 = arith.constant 1552 : i32
    %scan3A_13 = arith.constant 0 : i32
    %scan3A_14 = arith.constant 0 : i32
    %scan3A_15 = arith.constant 4 : i32
    %scan3A_16 = arith.addi %scan3A_14, %scan3A_15 : i32
    %scan3A_17 = arith.constant 1 : i32
    %scan3A_18 = scf.for %scan3A_24 = %scan3A_14 to %scan3A_16 step %scan3A_17 iter_args(%scan3A_25 = %scan3A_13) -> (i32)  : i32 {
      %mul3A_26 = arith.constant 32 : i32
      %mul3A_27 = arith.muli %add3A, %mul3A_26 : i32
      %mul3A_28 = arith.constant 8 : i32
      %mul3A_29 = arith.muli %scan3A_24, %mul3A_28 : i32
      %add3A_30 = arith.addi %mul3A_27, %mul3A_29 : i32
      "tpu.region"() ({
        %run_scoped3A = tpu.sem_alloc : memref<!tpu.dma_semaphore, #tpu.memory_space<semaphore_mem>>
        %dma_start3A = arith.constant 0 : i32
        %dma_start3A_39 = tpu.memref_slice %arg2[%add3A_30, %dma_start3A] : memref<1024x4096xi32, #tpu.memory_space<hbm>> -> memref<8x4096xi32, #tpu.memory_space<hbm>>
        %dma_start3A_40 = arith.constant 0 : i32
        %dma_start3A_41 = tpu.memref_slice %arg2[%add3A_30, %dma_start3A_40] : memref<1024x4096xi32, #tpu.memory_space<hbm>> -> memref<8x4096xi32, #tpu.memory_space<hbm>>
        tpu.enqueue_dma source(%dma_start3A_41 : memref<8x4096xi32, #tpu.memory_space<hbm>>) target(%arg4 : memref<8x4096xi32, #tpu.memory_space<vmem>>) target_semaphore(%run_scoped3A : memref<!tpu.dma_semaphore, #tpu.memory_space<semaphore_mem>>)
        %dma_wait3A = arith.constant 0 : i32
        %dma_wait3A_42 = tpu.memref_slice %arg2[%add3A_30, %dma_wait3A] : memref<1024x4096xi32, #tpu.memory_space<hbm>> -> memref<8x4096xi32, #tpu.memory_space<hbm>>
        %dma_wait3A_43 = arith.constant 0 : i32
        %dma_wait3A_44 = tpu.memref_slice %arg2[%add3A_30, %dma_wait3A_43] : memref<1024x4096xi32, #tpu.memory_space<hbm>> -> memref<8x4096xi32, #tpu.memory_space<hbm>>
        tpu.wait_dma2 semaphore(%run_scoped3A : memref<!tpu.dma_semaphore, #tpu.memory_space<semaphore_mem>>) src(%dma_wait3A_44 : memref<8x4096xi32, #tpu.memory_space<hbm>>) dst(%arg4 : memref<8x4096xi32, #tpu.memory_space<vmem>>)
        tpu.yield
      }) : () -> ()
      %scan3A_31 = arith.constant 0 : i32
      %scan3A_32 = arith.constant 0 : i32
      %scan3A_33 = arith.constant 256 : i32
      %scan3A_34 = arith.addi %scan3A_32, %scan3A_33 : i32
      %scan3A_35 = arith.constant 1 : i32
      %scan3A_36 = scf.for %scan3A_39 = %scan3A_32 to %scan3A_34 step %scan3A_35 iter_args(%scan3A_40 = %scan3A_31) -> (i32)  : i32 {
        %mul3A_41 = arith.constant 16 : i32
        %mul3A_42 = arith.muli %scan3A_39, %mul3A_41 : i32
        %get3A = arith.constant 0 : i32
        %get3A_43 = arith.index_cast %get3A : i32 to index
        %get3A_44 = arith.index_cast %mul3A_42 : i32 to index
        %get3A_45 = tpu.vector_load %arg4[%get3A_43, %get3A_44] {strides = array<i32>} : memref<8x4096xi32, #tpu.memory_space<vmem>>, vector<16xi32>,
        %add3A_46 = arith.addi %mul3A_3, %get3A_45 : vector<16xi32>
        %lt3A = arith.constant 1536 : i32
        %lt3A_47 = vector.broadcast %lt3A : i32 to vector<16xi32>
        %lt3A_48 = arith.cmpi slt, %get3A_45, %lt3A_47 : vector<16xi32>
        tpu.vector_store_idx %arg5[%add3A_46], %broadcast_in_dim3A_4 masked %lt3A_48 {add = true} : memref<24832xi32, #tpu.memory_space<vmem>>[vector<16xi32>], vector<16xi32>, vector<16xi1>
        %mul3A_49 = arith.constant 16 : i32
        %mul3A_50 = arith.muli %scan3A_39, %mul3A_49 : i32
        %get3A_51 = arith.constant 1 : i32
        %get3A_52 = arith.index_cast %get3A_51 : i32 to index
        %get3A_53 = arith.index_cast %mul3A_50 : i32 to index
        %get3A_54 = tpu.vector_load %arg4[%get3A_52, %get3A_53] {strides = array<i32>} : memref<8x4096xi32, #tpu.memory_space<vmem>>, vector<16xi32>,
        %add3A_55 = arith.addi %mul3A_3, %get3A_54 : vector<16xi32>
        %lt3A_56 = arith.constant 1536 : i32
        %lt3A_57 = vector.broadcast %lt3A_56 : i32 to vector<16xi32>
        %lt3A_58 = arith.cmpi slt, %get3A_54, %lt3A_57 : vector<16xi32>
        tpu.vector_store_idx %arg5[%add3A_55], %broadcast_in_dim3A_4 masked %lt3A_58 {add = true} : memref<24832xi32, #tpu.memory_space<vmem>>[vector<16xi32>], vector<16xi32>, vector<16xi1>
        %mul3A_59 = arith.constant 16 : i32
        %mul3A_60 = arith.muli %scan3A_39, %mul3A_59 : i32
        %get3A_61 = arith.constant 2 : i32
        %get3A_62 = arith.index_cast %get3A_61 : i32 to index
        %get3A_63 = arith.index_cast %mul3A_60 : i32 to index
        %get3A_64 = tpu.vector_load %arg4[%get3A_62, %get3A_63] {strides = array<i32>} : memref<8x4096xi32, #tpu.memory_space<vmem>>, vector<16xi32>,
        %add3A_65 = arith.addi %mul3A_3, %get3A_64 : vector<16xi32>
        %lt3A_66 = arith.constant 1536 : i32
        %lt3A_67 = vector.broadcast %lt3A_66 : i32 to vector<16xi32>
        %lt3A_68 = arith.cmpi slt, %get3A_64, %lt3A_67 : vector<16xi32>
        tpu.vector_store_idx %arg5[%add3A_65], %broadcast_in_dim3A_4 masked %lt3A_68 {add = true} : memref<24832xi32, #tpu.memory_space<vmem>>[vector<16xi32>], vector<16xi32>, vector<16xi1>
        %mul3A_69 = arith.constant 16 : i32
        %mul3A_70 = arith.muli %scan3A_39, %mul3A_69 : i32
        %get3A_71 = arith.constant 3 : i32
        %get3A_72 = arith.index_cast %get3A_71 : i32 to index
        %get3A_73 = arith.index_cast %mul3A_70 : i32 to index
        %get3A_74 = tpu.vector_load %arg4[%get3A_72, %get3A_73] {strides = array<i32>} : memref<8x4096xi32, #tpu.memory_space<vmem>>, vector<16xi32>,
        %add3A_75 = arith.addi %mul3A_3, %get3A_74 : vector<16xi32>
        %lt3A_76 = arith.constant 1536 : i32
        %lt3A_77 = vector.broadcast %lt3A_76 : i32 to vector<16xi32>
        %lt3A_78 = arith.cmpi slt, %get3A_74, %lt3A_77 : vector<16xi32>
        tpu.vector_store_idx %arg5[%add3A_75], %broadcast_in_dim3A_4 masked %lt3A_78 {add = true} : memref<24832xi32, #tpu.memory_space<vmem>>[vector<16xi32>], vector<16xi32>, vector<16xi1>
        %mul3A_79 = arith.constant 16 : i32
        %mul3A_80 = arith.muli %scan3A_39, %mul3A_79 : i32
        %get3A_81 = arith.constant 4 : i32
        %get3A_82 = arith.index_cast %get3A_81 : i32 to index
        %get3A_83 = arith.index_cast %mul3A_80 : i32 to index
        %get3A_84 = tpu.vector_load %arg4[%get3A_82, %get3A_83] {strides = array<i32>} : memref<8x4096xi32, #tpu.memory_space<vmem>>, vector<16xi32>,
        %add3A_85 = arith.addi %mul3A_3, %get3A_84 : vector<16xi32>
        %lt3A_86 = arith.constant 1536 : i32
        %lt3A_87 = vector.broadcast %lt3A_86 : i32 to vector<16xi32>
        %lt3A_88 = arith.cmpi slt, %get3A_84, %lt3A_87 : vector<16xi32>
        tpu.vector_store_idx %arg5[%add3A_85], %broadcast_in_dim3A_4 masked %lt3A_88 {add = true} : memref<24832xi32, #tpu.memory_space<vmem>>[vector<16xi32>], vector<16xi32>, vector<16xi1>
        %mul3A_89 = arith.constant 16 : i32
        %mul3A_90 = arith.muli %scan3A_39, %mul3A_89 : i32
        %get3A_91 = arith.constant 5 : i32
        %get3A_92 = arith.index_cast %get3A_91 : i32 to index
        %get3A_93 = arith.index_cast %mul3A_90 : i32 to index
        %get3A_94 = tpu.vector_load %arg4[%get3A_92, %get3A_93] {strides = array<i32>} : memref<8x4096xi32, #tpu.memory_space<vmem>>, vector<16xi32>,
        %add3A_95 = arith.addi %mul3A_3, %get3A_94 : vector<16xi32>
        %lt3A_96 = arith.constant 1536 : i32
        %lt3A_97 = vector.broadcast %lt3A_96 : i32 to vector<16xi32>
        %lt3A_98 = arith.cmpi slt, %get3A_94, %lt3A_97 : vector<16xi32>
        tpu.vector_store_idx %arg5[%add3A_95], %broadcast_in_dim3A_4 masked %lt3A_98 {add = true} : memref<24832xi32, #tpu.memory_space<vmem>>[vector<16xi32>], vector<16xi32>, vector<16xi1>
        %mul3A_99 = arith.constant 16 : i32
        %mul3A_100 = arith.muli %scan3A_39, %mul3A_99 : i32
        %get3A_101 = arith.constant 6 : i32
        %get3A_102 = arith.index_cast %get3A_101 : i32 to index
        %get3A_103 = arith.index_cast %mul3A_100 : i32 to index
        %get3A_104 = tpu.vector_load %arg4[%get3A_102, %get3A_103] {strides = array<i32>} : memref<8x4096xi32, #tpu.memory_space<vmem>>, vector<16xi32>,
        %add3A_105 = arith.addi %mul3A_3, %get3A_104 : vector<16xi32>
        %lt3A_106 = arith.constant 1536 : i32
        %lt3A_107 = vector.broadcast %lt3A_106 : i32 to vector<16xi32>
        %lt3A_108 = arith.cmpi slt, %get3A_104, %lt3A_107 : vector<16xi32>
        tpu.vector_store_idx %arg5[%add3A_105], %broadcast_in_dim3A_4 masked %lt3A_108 {add = true} : memref<24832xi32, #tpu.memory_space<vmem>>[vector<16xi32>], vector<16xi32>, vector<16xi1>
        %mul3A_109 = arith.constant 16 : i32
        %mul3A_110 = arith.muli %scan3A_39, %mul3A_109 : i32
        %get3A_111 = arith.constant 7 : i32
        %get3A_112 = arith.index_cast %get3A_111 : i32 to index
        %get3A_113 = arith.index_cast %mul3A_110 : i32 to index
        %get3A_114 = tpu.vector_load %arg4[%get3A_112, %get3A_113] {strides = array<i32>} : memref<8x4096xi32, #tpu.memory_space<vmem>>, vector<16xi32>,
        %add3A_115 = arith.addi %mul3A_3, %get3A_114 : vector<16xi32>
        %lt3A_116 = arith.constant 1536 : i32
        %lt3A_117 = vector.broadcast %lt3A_116 : i32 to vector<16xi32>
        %lt3A_118 = arith.cmpi slt, %get3A_114, %lt3A_117 : vector<16xi32>
        tpu.vector_store_idx %arg5[%add3A_115], %broadcast_in_dim3A_4 masked %lt3A_118 {add = true} : memref<24832xi32, #tpu.memory_space<vmem>>[vector<16xi32>], vector<16xi32>, vector<16xi1>
        %scan3A_119 = arith.constant 0 : i32
        scf.yield %scan3A_119 : i32
      }
      %scan3A_37 = arith.constant 256 : i32
      %scan3A_38 = arith.constant 0 : i32
      scf.yield %scan3A_38 : i32
    }
    %scan3A_19 = arith.constant 4 : i32
    %mul3A_20 = arith.constant 16 : i32
    %mul3A_21 = arith.muli %add3A, %mul3A_20 : i32
    %mul3A_22 = arith.constant 1552 : i32
    %mul3A_23 = arith.muli %mul3A_21, %mul3A_22 : i32
    "tpu.region"() ({
      %run_scoped3A = tpu.sem_alloc : memref<!tpu.dma_semaphore, #tpu.memory_space<semaphore_mem>>
      %dma_start3A = tpu.memref_slice %arg3[%mul3A_23] : memref<794624xi32, #tpu.memory_space<hbm>> -> memref<24832xi32, #tpu.memory_space<hbm>>
      %dma_start3A_24 = tpu.memref_slice %arg3[%mul3A_23] : memref<794624xi32, #tpu.memory_space<hbm>> -> memref<24832xi32, #tpu.memory_space<hbm>>
      tpu.enqueue_dma source(%arg5 : memref<24832xi32, #tpu.memory_space<vmem>>) target(%dma_start3A_24 : memref<24832xi32, #tpu.memory_space<hbm>>) target_semaphore(%run_scoped3A : memref<!tpu.dma_semaphore, #tpu.memory_space<semaphore_mem>>)
      %dma_wait3A = tpu.memref_slice %arg3[%mul3A_23] : memref<794624xi32, #tpu.memory_space<hbm>> -> memref<24832xi32, #tpu.memory_space<hbm>>
      %dma_wait3A_25 = tpu.memref_slice %arg3[%mul3A_23] : memref<794624xi32, #tpu.memory_space<hbm>> -> memref<24832xi32, #tpu.memory_space<hbm>>
      tpu.wait_dma2 semaphore(%run_scoped3A : memref<!tpu.dma_semaphore, #tpu.memory_space<semaphore_mem>>) src(%arg5 : memref<24832xi32, #tpu.memory_space<vmem>>) dst(%dma_wait3A_25 : memref<24832xi32, #tpu.memory_space<hbm>>)
      tpu.yield
    }) : () -> ()
    return
  }
}

#map = affine_map<(d0, d1) -> (0, 0)>
#map1 = affine_map<(d0, d1) -> (0)>
module attributes {stable_mosaic.version = 14 : i64} {
  func.func @_count_body(%arg0: i32, %arg1: i32, %arg2: memref<1024x4096xi32, #tpu.memory_space<hbm>>, %arg3: memref<794624xi32, #tpu.memory_space<hbm>>, %arg4: memref<8x4096xi32, #tpu.memory_space<vmem>>, %arg5: memref<24832xi32, #tpu.memory_space<vmem>>) attributes {dimension_semantics = [#tpu.dimension_semantics<core_parallel>, #tpu.dimension_semantics<subcore_parallel>], iteration_bounds = array<i64: 2, 16>, scalar_prefetch = 0 : i64, scratch_operands = 2 : i64, tpu.core_type = #tpu.core_type<sc_vector_subcore>, window_params = [{transform_indices = #map}, {transform_indices = #map1}]} {
    %mul3A = arith.constant 2 : i32
    %mul3A_0 = arith.muli %arg1, %mul3A : i32
    %add3A = arith.addi %mul3A_0, %arg0 : i32
    %iota3A = tpu.iota {dimensions = array<i32: 0>} : vector<16xi32>
    %mul3A_1 = arith.constant 1552 : i32
    %mul3A_2 = vector.broadcast %mul3A_1 : i32 to vector<16xi32>
    %mul3A_3 = arith.muli %iota3A, %mul3A_2 : vector<16xi32>
    %broadcast_in_dim3A = arith.constant 1 : i32
    %broadcast_in_dim3A_4 = vector.broadcast %broadcast_in_dim3A : i32 to vector<16xi32>
    %broadcast_in_dim3A_5 = arith.constant 0 : i32
    %broadcast_in_dim3A_6 = vector.broadcast %broadcast_in_dim3A_5 : i32 to vector<16xi32>
    %scan3A = arith.constant 0 : i32
    %scan3A_7 = arith.constant 0 : i32
    %scan3A_8 = arith.constant 1552 : i32
    %scan3A_9 = arith.addi %scan3A_7, %scan3A_8 : i32
    %scan3A_10 = arith.constant 1 : i32
    %scan3A_11 = scf.for %scan3A_24 = %scan3A_7 to %scan3A_9 step %scan3A_10 iter_args(%scan3A_25 = %scan3A) -> (i32)  : i32 {
      %mul3A_26 = arith.constant 16 : i32
      %mul3A_27 = arith.muli %scan3A_24, %mul3A_26 : i32
      %swap3A = arith.index_cast %mul3A_27 : i32 to index
      %swap3A_28 = tpu.vector_load %arg5[%swap3A] {strides = array<i32>} : memref<24832xi32, #tpu.memory_space<vmem>>, vector<16xi32>,
      tpu.vector_store %arg5[%swap3A], %broadcast_in_dim3A_6 {strides = array<i32>} : memref<24832xi32, #tpu.memory_space<vmem>>, vector<16xi32>,
      %scan3A_29 = arith.constant 0 : i32
      scf.yield %scan3A_29 : i32
    }
    %scan3A_12 = arith.constant 1552 : i32
    %scan3A_13 = arith.constant 0 : i32
    %scan3A_14 = arith.constant 0 : i32
    %scan3A_15 = arith.constant 4 : i32
    %scan3A_16 = arith.addi %scan3A_14, %scan3A_15 : i32
    %scan3A_17 = arith.constant 1 : i32
    %scan3A_18 = scf.for %scan3A_24 = %scan3A_14 to %scan3A_16 step %scan3A_17 iter_args(%scan3A_25 = %scan3A_13) -> (i32)  : i32 {
      %mul3A_26 = arith.constant 32 : i32
      %mul3A_27 = arith.muli %add3A, %mul3A_26 : i32
      %mul3A_28 = arith.constant 8 : i32
      %mul3A_29 = arith.muli %scan3A_24, %mul3A_28 : i32
      %add3A_30 = arith.addi %mul3A_27, %mul3A_29 : i32
      "tpu.region"() ({
        %run_scoped3A = tpu.sem_alloc : memref<!tpu.dma_semaphore, #tpu.memory_space<semaphore_mem>>
        %dma_start3A = arith.constant 0 : i32
        %dma_start3A_39 = tpu.memref_slice %arg2[%add3A_30, %dma_start3A] : memref<1024x4096xi32, #tpu.memory_space<hbm>> -> memref<8x4096xi32, #tpu.memory_space<hbm>>
        %dma_start3A_40 = arith.constant 0 : i32
        %dma_start3A_41 = tpu.memref_slice %arg2[%add3A_30, %dma_start3A_40] : memref<1024x4096xi32, #tpu.memory_space<hbm>> -> memref<8x4096xi32, #tpu.memory_space<hbm>>
        tpu.enqueue_dma source(%dma_start3A_41 : memref<8x4096xi32, #tpu.memory_space<hbm>>) target(%arg4 : memref<8x4096xi32, #tpu.memory_space<vmem>>) target_semaphore(%run_scoped3A : memref<!tpu.dma_semaphore, #tpu.memory_space<semaphore_mem>>)
        %dma_wait3A = arith.constant 0 : i32
        %dma_wait3A_42 = tpu.memref_slice %arg2[%add3A_30, %dma_wait3A] : memref<1024x4096xi32, #tpu.memory_space<hbm>> -> memref<8x4096xi32, #tpu.memory_space<hbm>>
        %dma_wait3A_43 = arith.constant 0 : i32
        %dma_wait3A_44 = tpu.memref_slice %arg2[%add3A_30, %dma_wait3A_43] : memref<1024x4096xi32, #tpu.memory_space<hbm>> -> memref<8x4096xi32, #tpu.memory_space<hbm>>
        tpu.wait_dma2 semaphore(%run_scoped3A : memref<!tpu.dma_semaphore, #tpu.memory_space<semaphore_mem>>) src(%dma_wait3A_44 : memref<8x4096xi32, #tpu.memory_space<hbm>>) dst(%arg4 : memref<8x4096xi32, #tpu.memory_space<vmem>>)
        tpu.yield
      }) : () -> ()
      %scan3A_31 = arith.constant 0 : i32
      %scan3A_32 = arith.constant 0 : i32
      %scan3A_33 = arith.constant 256 : i32
      %scan3A_34 = arith.addi %scan3A_32, %scan3A_33 : i32
      %scan3A_35 = arith.constant 1 : i32
      %scan3A_36 = scf.for %scan3A_39 = %scan3A_32 to %scan3A_34 step %scan3A_35 iter_args(%scan3A_40 = %scan3A_31) -> (i32)  : i32 {
        %mul3A_41 = arith.constant 16 : i32
        %mul3A_42 = arith.muli %scan3A_39, %mul3A_41 : i32
        %get3A = arith.constant 0 : i32
        %get3A_43 = arith.index_cast %get3A : i32 to index
        %get3A_44 = arith.index_cast %mul3A_42 : i32 to index
        %get3A_45 = tpu.vector_load %arg4[%get3A_43, %get3A_44] {strides = array<i32>} : memref<8x4096xi32, #tpu.memory_space<vmem>>, vector<16xi32>,
        %add3A_46 = arith.addi %mul3A_3, %get3A_45 : vector<16xi32>
        %lt3A = arith.constant 1536 : i32
        %lt3A_47 = vector.broadcast %lt3A : i32 to vector<16xi32>
        %lt3A_48 = arith.cmpi slt, %get3A_45, %lt3A_47 : vector<16xi32>
        tpu.vector_store_idx %arg5[%add3A_46], %broadcast_in_dim3A_4 masked %lt3A_48 {add = true} : memref<24832xi32, #tpu.memory_space<vmem>>[vector<16xi32>], vector<16xi32>, vector<16xi1>
        %mul3A_49 = arith.constant 16 : i32
        %mul3A_50 = arith.muli %scan3A_39, %mul3A_49 : i32
        %get3A_51 = arith.constant 1 : i32
        %get3A_52 = arith.index_cast %get3A_51 : i32 to index
        %get3A_53 = arith.index_cast %mul3A_50 : i32 to index
        %get3A_54 = tpu.vector_load %arg4[%get3A_52, %get3A_53] {strides = array<i32>} : memref<8x4096xi32, #tpu.memory_space<vmem>>, vector<16xi32>,
        %add3A_55 = arith.addi %mul3A_3, %get3A_54 : vector<16xi32>
        %lt3A_56 = arith.constant 1536 : i32
        %lt3A_57 = vector.broadcast %lt3A_56 : i32 to vector<16xi32>
        %lt3A_58 = arith.cmpi slt, %get3A_54, %lt3A_57 : vector<16xi32>
        tpu.vector_store_idx %arg5[%add3A_55], %broadcast_in_dim3A_4 masked %lt3A_58 {add = true} : memref<24832xi32, #tpu.memory_space<vmem>>[vector<16xi32>], vector<16xi32>, vector<16xi1>
        %mul3A_59 = arith.constant 16 : i32
        %mul3A_60 = arith.muli %scan3A_39, %mul3A_59 : i32
        %get3A_61 = arith.constant 2 : i32
        %get3A_62 = arith.index_cast %get3A_61 : i32 to index
        %get3A_63 = arith.index_cast %mul3A_60 : i32 to index
        %get3A_64 = tpu.vector_load %arg4[%get3A_62, %get3A_63] {strides = array<i32>} : memref<8x4096xi32, #tpu.memory_space<vmem>>, vector<16xi32>,
        %add3A_65 = arith.addi %mul3A_3, %get3A_64 : vector<16xi32>
        %lt3A_66 = arith.constant 1536 : i32
        %lt3A_67 = vector.broadcast %lt3A_66 : i32 to vector<16xi32>
        %lt3A_68 = arith.cmpi slt, %get3A_64, %lt3A_67 : vector<16xi32>
        tpu.vector_store_idx %arg5[%add3A_65], %broadcast_in_dim3A_4 masked %lt3A_68 {add = true} : memref<24832xi32, #tpu.memory_space<vmem>>[vector<16xi32>], vector<16xi32>, vector<16xi1>
        %mul3A_69 = arith.constant 16 : i32
        %mul3A_70 = arith.muli %scan3A_39, %mul3A_69 : i32
        %get3A_71 = arith.constant 3 : i32
        %get3A_72 = arith.index_cast %get3A_71 : i32 to index
        %get3A_73 = arith.index_cast %mul3A_70 : i32 to index
        %get3A_74 = tpu.vector_load %arg4[%get3A_72, %get3A_73] {strides = array<i32>} : memref<8x4096xi32, #tpu.memory_space<vmem>>, vector<16xi32>,
        %add3A_75 = arith.addi %mul3A_3, %get3A_74 : vector<16xi32>
        %lt3A_76 = arith.constant 1536 : i32
        %lt3A_77 = vector.broadcast %lt3A_76 : i32 to vector<16xi32>
        %lt3A_78 = arith.cmpi slt, %get3A_74, %lt3A_77 : vector<16xi32>
        tpu.vector_store_idx %arg5[%add3A_75], %broadcast_in_dim3A_4 masked %lt3A_78 {add = true} : memref<24832xi32, #tpu.memory_space<vmem>>[vector<16xi32>], vector<16xi32>, vector<16xi1>
        %mul3A_79 = arith.constant 16 : i32
        %mul3A_80 = arith.muli %scan3A_39, %mul3A_79 : i32
        %get3A_81 = arith.constant 4 : i32
        %get3A_82 = arith.index_cast %get3A_81 : i32 to index
        %get3A_83 = arith.index_cast %mul3A_80 : i32 to index
        %get3A_84 = tpu.vector_load %arg4[%get3A_82, %get3A_83] {strides = array<i32>} : memref<8x4096xi32, #tpu.memory_space<vmem>>, vector<16xi32>,
        %add3A_85 = arith.addi %mul3A_3, %get3A_84 : vector<16xi32>
        %lt3A_86 = arith.constant 1536 : i32
        %lt3A_87 = vector.broadcast %lt3A_86 : i32 to vector<16xi32>
        %lt3A_88 = arith.cmpi slt, %get3A_84, %lt3A_87 : vector<16xi32>
        tpu.vector_store_idx %arg5[%add3A_85], %broadcast_in_dim3A_4 masked %lt3A_88 {add = true} : memref<24832xi32, #tpu.memory_space<vmem>>[vector<16xi32>], vector<16xi32>, vector<16xi1>
        %mul3A_89 = arith.constant 16 : i32
        %mul3A_90 = arith.muli %scan3A_39, %mul3A_89 : i32
        %get3A_91 = arith.constant 5 : i32
        %get3A_92 = arith.index_cast %get3A_91 : i32 to index
        %get3A_93 = arith.index_cast %mul3A_90 : i32 to index
        %get3A_94 = tpu.vector_load %arg4[%get3A_92, %get3A_93] {strides = array<i32>} : memref<8x4096xi32, #tpu.memory_space<vmem>>, vector<16xi32>,
        %add3A_95 = arith.addi %mul3A_3, %get3A_94 : vector<16xi32>
        %lt3A_96 = arith.constant 1536 : i32
        %lt3A_97 = vector.broadcast %lt3A_96 : i32 to vector<16xi32>
        %lt3A_98 = arith.cmpi slt, %get3A_94, %lt3A_97 : vector<16xi32>
        tpu.vector_store_idx %arg5[%add3A_95], %broadcast_in_dim3A_4 masked %lt3A_98 {add = true} : memref<24832xi32, #tpu.memory_space<vmem>>[vector<16xi32>], vector<16xi32>, vector<16xi1>
        %mul3A_99 = arith.constant 16 : i32
        %mul3A_100 = arith.muli %scan3A_39, %mul3A_99 : i32
        %get3A_101 = arith.constant 6 : i32
        %get3A_102 = arith.index_cast %get3A_101 : i32 to index
        %get3A_103 = arith.index_cast %mul3A_100 : i32 to index
        %get3A_104 = tpu.vector_load %arg4[%get3A_102, %get3A_103] {strides = array<i32>} : memref<8x4096xi32, #tpu.memory_space<vmem>>, vector<16xi32>,
        %add3A_105 = arith.addi %mul3A_3, %get3A_104 : vector<16xi32>
        %lt3A_106 = arith.constant 1536 : i32
        %lt3A_107 = vector.broadcast %lt3A_106 : i32 to vector<16xi32>
        %lt3A_108 = arith.cmpi slt, %get3A_104, %lt3A_107 : vector<16xi32>
        tpu.vector_store_idx %arg5[%add3A_105], %broadcast_in_dim3A_4 masked %lt3A_108 {add = true} : memref<24832xi32, #tpu.memory_space<vmem>>[vector<16xi32>], vector<16xi32>, vector<16xi1>
        %mul3A_109 = arith.constant 16 : i32
        %mul3A_110 = arith.muli %scan3A_39, %mul3A_109 : i32
        %get3A_111 = arith.constant 7 : i32
        %get3A_112 = arith.index_cast %get3A_111 : i32 to index
        %get3A_113 = arith.index_cast %mul3A_110 : i32 to index
        %get3A_114 = tpu.vector_load %arg4[%get3A_112, %get3A_113] {strides = array<i32>} : memref<8x4096xi32, #tpu.memory_space<vmem>>, vector<16xi32>,
        %add3A_115 = arith.addi %mul3A_3, %get3A_114 : vector<16xi32>
        %lt3A_116 = arith.constant 1536 : i32
        %lt3A_117 = vector.broadcast %lt3A_116 : i32 to vector<16xi32>
        %lt3A_118 = arith.cmpi slt, %get3A_114, %lt3A_117 : vector<16xi32>
        tpu.vector_store_idx %arg5[%add3A_115], %broadcast_in_dim3A_4 masked %lt3A_118 {add = true} : memref<24832xi32, #tpu.memory_space<vmem>>[vector<16xi32>], vector<16xi32>, vector<16xi1>
        %scan3A_119 = arith.constant 0 : i32
        scf.yield %scan3A_119 : i32
      }
      %scan3A_37 = arith.constant 256 : i32
      %scan3A_38 = arith.constant 0 : i32
      scf.yield %scan3A_38 : i32
    }
    %scan3A_19 = arith.constant 4 : i32
    %mul3A_20 = arith.constant 16 : i32
    %mul3A_21 = arith.muli %add3A, %mul3A_20 : i32
    %mul3A_22 = arith.constant 1552 : i32
    %mul3A_23 = arith.muli %mul3A_21, %mul3A_22 : i32
    "tpu.region"() ({
      %run_scoped3A = tpu.sem_alloc : memref<!tpu.dma_semaphore, #tpu.memory_space<semaphore_mem>>
      %dma_start3A = tpu.memref_slice %arg3[%mul3A_23] : memref<794624xi32, #tpu.memory_space<hbm>> -> memref<24832xi32, #tpu.memory_space<hbm>>
      %dma_start3A_24 = tpu.memref_slice %arg3[%mul3A_23] : memref<794624xi32, #tpu.memory_space<hbm>> -> memref<24832xi32, #tpu.memory_space<hbm>>
      tpu.enqueue_dma source(%arg5 : memref<24832xi32, #tpu.memory_space<vmem>>) target(%dma_start3A_24 : memref<24832xi32, #tpu.memory_space<hbm>>) target_semaphore(%run_scoped3A : memref<!tpu.dma_semaphore, #tpu.memory_space<semaphore_mem>>)
      %dma_wait3A = tpu.memref_slice %arg3[%mul3A_23] : memref<794624xi32, #tpu.memory_space<hbm>> -> memref<24832xi32, #tpu.memory_space<hbm>>
      %dma_wait3A_25 = tpu.memref_slice %arg3[%mul3A_23] : memref<794624xi32, #tpu.memory_space<hbm>> -> memref<24832xi32, #tpu.memory_space<hbm>>
      tpu.wait_dma2 semaphore(%run_scoped3A : memref<!tpu.dma_semaphore, #tpu.memory_space<semaphore_mem>>) src(%arg5 : memref<24832xi32, #tpu.memory_space<vmem>>) dst(%dma_wait3A_25 : memref<24832xi32, #tpu.memory_space<hbm>>)
      tpu.yield
    }) : () -> ()
    return
  }
}

#map = affine_map<(d0, d1) -> (0, 0)>
#map1 = affine_map<(d0, d1) -> (0)>
module attributes {stable_mosaic.version = 14 : i64} {
  func.func @_count_body(%arg0: i32, %arg1: i32, %arg2: memref<1024x4096xi32, #tpu.memory_space<hbm>>, %arg3: memref<794624xi32, #tpu.memory_space<hbm>>, %arg4: memref<8x4096xi32, #tpu.memory_space<vmem>>, %arg5: memref<24832xi32, #tpu.memory_space<vmem>>) attributes {dimension_semantics = [#tpu.dimension_semantics<core_parallel>, #tpu.dimension_semantics<subcore_parallel>], iteration_bounds = array<i64: 2, 16>, scalar_prefetch = 0 : i64, scratch_operands = 2 : i64, tpu.core_type = #tpu.core_type<sc_vector_subcore>, window_params = [{transform_indices = #map}, {transform_indices = #map1}]} {
    %mul3A = arith.constant 2 : i32
    %mul3A_0 = arith.muli %arg1, %mul3A : i32
    %add3A = arith.addi %mul3A_0, %arg0 : i32
    %iota3A = tpu.iota {dimensions = array<i32: 0>} : vector<16xi32>
    %mul3A_1 = arith.constant 1552 : i32
    %mul3A_2 = vector.broadcast %mul3A_1 : i32 to vector<16xi32>
    %mul3A_3 = arith.muli %iota3A, %mul3A_2 : vector<16xi32>
    %broadcast_in_dim3A = arith.constant 1 : i32
    %broadcast_in_dim3A_4 = vector.broadcast %broadcast_in_dim3A : i32 to vector<16xi32>
    %broadcast_in_dim3A_5 = arith.constant 0 : i32
    %broadcast_in_dim3A_6 = vector.broadcast %broadcast_in_dim3A_5 : i32 to vector<16xi32>
    %scan3A = arith.constant 0 : i32
    %scan3A_7 = arith.constant 0 : i32
    %scan3A_8 = arith.constant 1552 : i32
    %scan3A_9 = arith.addi %scan3A_7, %scan3A_8 : i32
    %scan3A_10 = arith.constant 1 : i32
    %scan3A_11 = scf.for %scan3A_24 = %scan3A_7 to %scan3A_9 step %scan3A_10 iter_args(%scan3A_25 = %scan3A) -> (i32)  : i32 {
      %mul3A_26 = arith.constant 16 : i32
      %mul3A_27 = arith.muli %scan3A_24, %mul3A_26 : i32
      %swap3A = arith.index_cast %mul3A_27 : i32 to index
      %swap3A_28 = tpu.vector_load %arg5[%swap3A] {strides = array<i32>} : memref<24832xi32, #tpu.memory_space<vmem>>, vector<16xi32>,
      tpu.vector_store %arg5[%swap3A], %broadcast_in_dim3A_6 {strides = array<i32>} : memref<24832xi32, #tpu.memory_space<vmem>>, vector<16xi32>,
      %scan3A_29 = arith.constant 0 : i32
      scf.yield %scan3A_29 : i32
    }
    %scan3A_12 = arith.constant 1552 : i32
    %scan3A_13 = arith.constant 0 : i32
    %scan3A_14 = arith.constant 0 : i32
    %scan3A_15 = arith.constant 4 : i32
    %scan3A_16 = arith.addi %scan3A_14, %scan3A_15 : i32
    %scan3A_17 = arith.constant 1 : i32
    %scan3A_18 = scf.for %scan3A_24 = %scan3A_14 to %scan3A_16 step %scan3A_17 iter_args(%scan3A_25 = %scan3A_13) -> (i32)  : i32 {
      %mul3A_26 = arith.constant 32 : i32
      %mul3A_27 = arith.muli %add3A, %mul3A_26 : i32
      %mul3A_28 = arith.constant 8 : i32
      %mul3A_29 = arith.muli %scan3A_24, %mul3A_28 : i32
      %add3A_30 = arith.addi %mul3A_27, %mul3A_29 : i32
      "tpu.region"() ({
        %run_scoped3A = tpu.sem_alloc : memref<!tpu.dma_semaphore, #tpu.memory_space<semaphore_mem>>
        %dma_start3A = arith.constant 0 : i32
        %dma_start3A_39 = tpu.memref_slice %arg2[%add3A_30, %dma_start3A] : memref<1024x4096xi32, #tpu.memory_space<hbm>> -> memref<8x4096xi32, #tpu.memory_space<hbm>>
        %dma_start3A_40 = arith.constant 0 : i32
        %dma_start3A_41 = tpu.memref_slice %arg2[%add3A_30, %dma_start3A_40] : memref<1024x4096xi32, #tpu.memory_space<hbm>> -> memref<8x4096xi32, #tpu.memory_space<hbm>>
        tpu.enqueue_dma source(%dma_start3A_41 : memref<8x4096xi32, #tpu.memory_space<hbm>>) target(%arg4 : memref<8x4096xi32, #tpu.memory_space<vmem>>) target_semaphore(%run_scoped3A : memref<!tpu.dma_semaphore, #tpu.memory_space<semaphore_mem>>)
        %dma_wait3A = arith.constant 0 : i32
        %dma_wait3A_42 = tpu.memref_slice %arg2[%add3A_30, %dma_wait3A] : memref<1024x4096xi32, #tpu.memory_space<hbm>> -> memref<8x4096xi32, #tpu.memory_space<hbm>>
        %dma_wait3A_43 = arith.constant 0 : i32
        %dma_wait3A_44 = tpu.memref_slice %arg2[%add3A_30, %dma_wait3A_43] : memref<1024x4096xi32, #tpu.memory_space<hbm>> -> memref<8x4096xi32, #tpu.memory_space<hbm>>
        tpu.wait_dma2 semaphore(%run_scoped3A : memref<!tpu.dma_semaphore, #tpu.memory_space<semaphore_mem>>) src(%dma_wait3A_44 : memref<8x4096xi32, #tpu.memory_space<hbm>>) dst(%arg4 : memref<8x4096xi32, #tpu.memory_space<vmem>>)
        tpu.yield
      }) : () -> ()
      %scan3A_31 = arith.constant 0 : i32
      %scan3A_32 = arith.constant 0 : i32
      %scan3A_33 = arith.constant 256 : i32
      %scan3A_34 = arith.addi %scan3A_32, %scan3A_33 : i32
      %scan3A_35 = arith.constant 1 : i32
      %scan3A_36 = scf.for %scan3A_39 = %scan3A_32 to %scan3A_34 step %scan3A_35 iter_args(%scan3A_40 = %scan3A_31) -> (i32)  : i32 {
        %mul3A_41 = arith.constant 16 : i32
        %mul3A_42 = arith.muli %scan3A_39, %mul3A_41 : i32
        %get3A = arith.constant 0 : i32
        %get3A_43 = arith.index_cast %get3A : i32 to index
        %get3A_44 = arith.index_cast %mul3A_42 : i32 to index
        %get3A_45 = tpu.vector_load %arg4[%get3A_43, %get3A_44] {strides = array<i32>} : memref<8x4096xi32, #tpu.memory_space<vmem>>, vector<16xi32>,
        %add3A_46 = arith.addi %mul3A_3, %get3A_45 : vector<16xi32>
        %lt3A = arith.constant 1536 : i32
        %lt3A_47 = vector.broadcast %lt3A : i32 to vector<16xi32>
        %lt3A_48 = arith.cmpi slt, %get3A_45, %lt3A_47 : vector<16xi32>
        tpu.vector_store_idx %arg5[%add3A_46], %broadcast_in_dim3A_4 masked %lt3A_48 {add = true} : memref<24832xi32, #tpu.memory_space<vmem>>[vector<16xi32>], vector<16xi32>, vector<16xi1>
        %mul3A_49 = arith.constant 16 : i32
        %mul3A_50 = arith.muli %scan3A_39, %mul3A_49 : i32
        %get3A_51 = arith.constant 1 : i32
        %get3A_52 = arith.index_cast %get3A_51 : i32 to index
        %get3A_53 = arith.index_cast %mul3A_50 : i32 to index
        %get3A_54 = tpu.vector_load %arg4[%get3A_52, %get3A_53] {strides = array<i32>} : memref<8x4096xi32, #tpu.memory_space<vmem>>, vector<16xi32>,
        %add3A_55 = arith.addi %mul3A_3, %get3A_54 : vector<16xi32>
        %lt3A_56 = arith.constant 1536 : i32
        %lt3A_57 = vector.broadcast %lt3A_56 : i32 to vector<16xi32>
        %lt3A_58 = arith.cmpi slt, %get3A_54, %lt3A_57 : vector<16xi32>
        tpu.vector_store_idx %arg5[%add3A_55], %broadcast_in_dim3A_4 masked %lt3A_58 {add = true} : memref<24832xi32, #tpu.memory_space<vmem>>[vector<16xi32>], vector<16xi32>, vector<16xi1>
        %mul3A_59 = arith.constant 16 : i32
        %mul3A_60 = arith.muli %scan3A_39, %mul3A_59 : i32
        %get3A_61 = arith.constant 2 : i32
        %get3A_62 = arith.index_cast %get3A_61 : i32 to index
        %get3A_63 = arith.index_cast %mul3A_60 : i32 to index
        %get3A_64 = tpu.vector_load %arg4[%get3A_62, %get3A_63] {strides = array<i32>} : memref<8x4096xi32, #tpu.memory_space<vmem>>, vector<16xi32>,
        %add3A_65 = arith.addi %mul3A_3, %get3A_64 : vector<16xi32>
        %lt3A_66 = arith.constant 1536 : i32
        %lt3A_67 = vector.broadcast %lt3A_66 : i32 to vector<16xi32>
        %lt3A_68 = arith.cmpi slt, %get3A_64, %lt3A_67 : vector<16xi32>
        tpu.vector_store_idx %arg5[%add3A_65], %broadcast_in_dim3A_4 masked %lt3A_68 {add = true} : memref<24832xi32, #tpu.memory_space<vmem>>[vector<16xi32>], vector<16xi32>, vector<16xi1>
        %mul3A_69 = arith.constant 16 : i32
        %mul3A_70 = arith.muli %scan3A_39, %mul3A_69 : i32
        %get3A_71 = arith.constant 3 : i32
        %get3A_72 = arith.index_cast %get3A_71 : i32 to index
        %get3A_73 = arith.index_cast %mul3A_70 : i32 to index
        %get3A_74 = tpu.vector_load %arg4[%get3A_72, %get3A_73] {strides = array<i32>} : memref<8x4096xi32, #tpu.memory_space<vmem>>, vector<16xi32>,
        %add3A_75 = arith.addi %mul3A_3, %get3A_74 : vector<16xi32>
        %lt3A_76 = arith.constant 1536 : i32
        %lt3A_77 = vector.broadcast %lt3A_76 : i32 to vector<16xi32>
        %lt3A_78 = arith.cmpi slt, %get3A_74, %lt3A_77 : vector<16xi32>
        tpu.vector_store_idx %arg5[%add3A_75], %broadcast_in_dim3A_4 masked %lt3A_78 {add = true} : memref<24832xi32, #tpu.memory_space<vmem>>[vector<16xi32>], vector<16xi32>, vector<16xi1>
        %mul3A_79 = arith.constant 16 : i32
        %mul3A_80 = arith.muli %scan3A_39, %mul3A_79 : i32
        %get3A_81 = arith.constant 4 : i32
        %get3A_82 = arith.index_cast %get3A_81 : i32 to index
        %get3A_83 = arith.index_cast %mul3A_80 : i32 to index
        %get3A_84 = tpu.vector_load %arg4[%get3A_82, %get3A_83] {strides = array<i32>} : memref<8x4096xi32, #tpu.memory_space<vmem>>, vector<16xi32>,
        %add3A_85 = arith.addi %mul3A_3, %get3A_84 : vector<16xi32>
        %lt3A_86 = arith.constant 1536 : i32
        %lt3A_87 = vector.broadcast %lt3A_86 : i32 to vector<16xi32>
        %lt3A_88 = arith.cmpi slt, %get3A_84, %lt3A_87 : vector<16xi32>
        tpu.vector_store_idx %arg5[%add3A_85], %broadcast_in_dim3A_4 masked %lt3A_88 {add = true} : memref<24832xi32, #tpu.memory_space<vmem>>[vector<16xi32>], vector<16xi32>, vector<16xi1>
        %mul3A_89 = arith.constant 16 : i32
        %mul3A_90 = arith.muli %scan3A_39, %mul3A_89 : i32
        %get3A_91 = arith.constant 5 : i32
        %get3A_92 = arith.index_cast %get3A_91 : i32 to index
        %get3A_93 = arith.index_cast %mul3A_90 : i32 to index
        %get3A_94 = tpu.vector_load %arg4[%get3A_92, %get3A_93] {strides = array<i32>} : memref<8x4096xi32, #tpu.memory_space<vmem>>, vector<16xi32>,
        %add3A_95 = arith.addi %mul3A_3, %get3A_94 : vector<16xi32>
        %lt3A_96 = arith.constant 1536 : i32
        %lt3A_97 = vector.broadcast %lt3A_96 : i32 to vector<16xi32>
        %lt3A_98 = arith.cmpi slt, %get3A_94, %lt3A_97 : vector<16xi32>
        tpu.vector_store_idx %arg5[%add3A_95], %broadcast_in_dim3A_4 masked %lt3A_98 {add = true} : memref<24832xi32, #tpu.memory_space<vmem>>[vector<16xi32>], vector<16xi32>, vector<16xi1>
        %mul3A_99 = arith.constant 16 : i32
        %mul3A_100 = arith.muli %scan3A_39, %mul3A_99 : i32
        %get3A_101 = arith.constant 6 : i32
        %get3A_102 = arith.index_cast %get3A_101 : i32 to index
        %get3A_103 = arith.index_cast %mul3A_100 : i32 to index
        %get3A_104 = tpu.vector_load %arg4[%get3A_102, %get3A_103] {strides = array<i32>} : memref<8x4096xi32, #tpu.memory_space<vmem>>, vector<16xi32>,
        %add3A_105 = arith.addi %mul3A_3, %get3A_104 : vector<16xi32>
        %lt3A_106 = arith.constant 1536 : i32
        %lt3A_107 = vector.broadcast %lt3A_106 : i32 to vector<16xi32>
        %lt3A_108 = arith.cmpi slt, %get3A_104, %lt3A_107 : vector<16xi32>
        tpu.vector_store_idx %arg5[%add3A_105], %broadcast_in_dim3A_4 masked %lt3A_108 {add = true} : memref<24832xi32, #tpu.memory_space<vmem>>[vector<16xi32>], vector<16xi32>, vector<16xi1>
        %mul3A_109 = arith.constant 16 : i32
        %mul3A_110 = arith.muli %scan3A_39, %mul3A_109 : i32
        %get3A_111 = arith.constant 7 : i32
        %get3A_112 = arith.index_cast %get3A_111 : i32 to index
        %get3A_113 = arith.index_cast %mul3A_110 : i32 to index
        %get3A_114 = tpu.vector_load %arg4[%get3A_112, %get3A_113] {strides = array<i32>} : memref<8x4096xi32, #tpu.memory_space<vmem>>, vector<16xi32>,
        %add3A_115 = arith.addi %mul3A_3, %get3A_114 : vector<16xi32>
        %lt3A_116 = arith.constant 1536 : i32
        %lt3A_117 = vector.broadcast %lt3A_116 : i32 to vector<16xi32>
        %lt3A_118 = arith.cmpi slt, %get3A_114, %lt3A_117 : vector<16xi32>
        tpu.vector_store_idx %arg5[%add3A_115], %broadcast_in_dim3A_4 masked %lt3A_118 {add = true} : memref<24832xi32, #tpu.memory_space<vmem>>[vector<16xi32>], vector<16xi32>, vector<16xi1>
        %scan3A_119 = arith.constant 0 : i32
        scf.yield %scan3A_119 : i32
      }
      %scan3A_37 = arith.constant 256 : i32
      %scan3A_38 = arith.constant 0 : i32
      scf.yield %scan3A_38 : i32
    }
    %scan3A_19 = arith.constant 4 : i32
    %mul3A_20 = arith.constant 16 : i32
    %mul3A_21 = arith.muli %add3A, %mul3A_20 : i32
    %mul3A_22 = arith.constant 1552 : i32
    %mul3A_23 = arith.muli %mul3A_21, %mul3A_22 : i32
    "tpu.region"() ({
      %run_scoped3A = tpu.sem_alloc : memref<!tpu.dma_semaphore, #tpu.memory_space<semaphore_mem>>
      %dma_start3A = tpu.memref_slice %arg3[%mul3A_23] : memref<794624xi32, #tpu.memory_space<hbm>> -> memref<24832xi32, #tpu.memory_space<hbm>>
      %dma_start3A_24 = tpu.memref_slice %arg3[%mul3A_23] : memref<794624xi32, #tpu.memory_space<hbm>> -> memref<24832xi32, #tpu.memory_space<hbm>>
      tpu.enqueue_dma source(%arg5 : memref<24832xi32, #tpu.memory_space<vmem>>) target(%dma_start3A_24 : memref<24832xi32, #tpu.memory_space<hbm>>) target_semaphore(%run_scoped3A : memref<!tpu.dma_semaphore, #tpu.memory_space<semaphore_mem>>)
      %dma_wait3A = tpu.memref_slice %arg3[%mul3A_23] : memref<794624xi32, #tpu.memory_space<hbm>> -> memref<24832xi32, #tpu.memory_space<hbm>>
      %dma_wait3A_25 = tpu.memref_slice %arg3[%mul3A_23] : memref<794624xi32, #tpu.memory_space<hbm>> -> memref<24832xi32, #tpu.memory_space<hbm>>
      tpu.wait_dma2 semaphore(%run_scoped3A : memref<!tpu.dma_semaphore, #tpu.memory_space<semaphore_mem>>) src(%arg5 : memref<24832xi32, #tpu.memory_space<vmem>>) dst(%dma_wait3A_25 : memref<24832xi32, #tpu.memory_space<hbm>>)
      tpu.yield
    }) : () -> ()
    return
  }
}

#map = affine_map<(d0, d1) -> (0, 0)>
#map1 = affine_map<(d0, d1) -> (0)>
module attributes {stable_mosaic.version = 14 : i64} {
  func.func @_count_body(%arg0: i32, %arg1: i32, %arg2: memref<1024x4096xi32, #tpu.memory_space<hbm>>, %arg3: memref<794624xi32, #tpu.memory_space<hbm>>, %arg4: memref<8x4096xi32, #tpu.memory_space<vmem>>, %arg5: memref<24832xi32, #tpu.memory_space<vmem>>) attributes {dimension_semantics = [#tpu.dimension_semantics<core_parallel>, #tpu.dimension_semantics<subcore_parallel>], iteration_bounds = array<i64: 2, 16>, scalar_prefetch = 0 : i64, scratch_operands = 2 : i64, tpu.core_type = #tpu.core_type<sc_vector_subcore>, window_params = [{transform_indices = #map}, {transform_indices = #map1}]} {
    %mul3A = arith.constant 2 : i32
    %mul3A_0 = arith.muli %arg1, %mul3A : i32
    %add3A = arith.addi %mul3A_0, %arg0 : i32
    %iota3A = tpu.iota {dimensions = array<i32: 0>} : vector<16xi32>
    %mul3A_1 = arith.constant 1552 : i32
    %mul3A_2 = vector.broadcast %mul3A_1 : i32 to vector<16xi32>
    %mul3A_3 = arith.muli %iota3A, %mul3A_2 : vector<16xi32>
    %broadcast_in_dim3A = arith.constant 1 : i32
    %broadcast_in_dim3A_4 = vector.broadcast %broadcast_in_dim3A : i32 to vector<16xi32>
    %broadcast_in_dim3A_5 = arith.constant 0 : i32
    %broadcast_in_dim3A_6 = vector.broadcast %broadcast_in_dim3A_5 : i32 to vector<16xi32>
    %scan3A = arith.constant 0 : i32
    %scan3A_7 = arith.constant 0 : i32
    %scan3A_8 = arith.constant 1552 : i32
    %scan3A_9 = arith.addi %scan3A_7, %scan3A_8 : i32
    %scan3A_10 = arith.constant 1 : i32
    %scan3A_11 = scf.for %scan3A_24 = %scan3A_7 to %scan3A_9 step %scan3A_10 iter_args(%scan3A_25 = %scan3A) -> (i32)  : i32 {
      %mul3A_26 = arith.constant 16 : i32
      %mul3A_27 = arith.muli %scan3A_24, %mul3A_26 : i32
      %swap3A = arith.index_cast %mul3A_27 : i32 to index
      %swap3A_28 = tpu.vector_load %arg5[%swap3A] {strides = array<i32>} : memref<24832xi32, #tpu.memory_space<vmem>>, vector<16xi32>,
      tpu.vector_store %arg5[%swap3A], %broadcast_in_dim3A_6 {strides = array<i32>} : memref<24832xi32, #tpu.memory_space<vmem>>, vector<16xi32>,
      %scan3A_29 = arith.constant 0 : i32
      scf.yield %scan3A_29 : i32
    }
    %scan3A_12 = arith.constant 1552 : i32
    %scan3A_13 = arith.constant 0 : i32
    %scan3A_14 = arith.constant 0 : i32
    %scan3A_15 = arith.constant 4 : i32
    %scan3A_16 = arith.addi %scan3A_14, %scan3A_15 : i32
    %scan3A_17 = arith.constant 1 : i32
    %scan3A_18 = scf.for %scan3A_24 = %scan3A_14 to %scan3A_16 step %scan3A_17 iter_args(%scan3A_25 = %scan3A_13) -> (i32)  : i32 {
      %mul3A_26 = arith.constant 32 : i32
      %mul3A_27 = arith.muli %add3A, %mul3A_26 : i32
      %mul3A_28 = arith.constant 8 : i32
      %mul3A_29 = arith.muli %scan3A_24, %mul3A_28 : i32
      %add3A_30 = arith.addi %mul3A_27, %mul3A_29 : i32
      "tpu.region"() ({
        %run_scoped3A = tpu.sem_alloc : memref<!tpu.dma_semaphore, #tpu.memory_space<semaphore_mem>>
        %dma_start3A = arith.constant 0 : i32
        %dma_start3A_39 = tpu.memref_slice %arg2[%add3A_30, %dma_start3A] : memref<1024x4096xi32, #tpu.memory_space<hbm>> -> memref<8x4096xi32, #tpu.memory_space<hbm>>
        %dma_start3A_40 = arith.constant 0 : i32
        %dma_start3A_41 = tpu.memref_slice %arg2[%add3A_30, %dma_start3A_40] : memref<1024x4096xi32, #tpu.memory_space<hbm>> -> memref<8x4096xi32, #tpu.memory_space<hbm>>
        tpu.enqueue_dma source(%dma_start3A_41 : memref<8x4096xi32, #tpu.memory_space<hbm>>) target(%arg4 : memref<8x4096xi32, #tpu.memory_space<vmem>>) target_semaphore(%run_scoped3A : memref<!tpu.dma_semaphore, #tpu.memory_space<semaphore_mem>>)
        %dma_wait3A = arith.constant 0 : i32
        %dma_wait3A_42 = tpu.memref_slice %arg2[%add3A_30, %dma_wait3A] : memref<1024x4096xi32, #tpu.memory_space<hbm>> -> memref<8x4096xi32, #tpu.memory_space<hbm>>
        %dma_wait3A_43 = arith.constant 0 : i32
        %dma_wait3A_44 = tpu.memref_slice %arg2[%add3A_30, %dma_wait3A_43] : memref<1024x4096xi32, #tpu.memory_space<hbm>> -> memref<8x4096xi32, #tpu.memory_space<hbm>>
        tpu.wait_dma2 semaphore(%run_scoped3A : memref<!tpu.dma_semaphore, #tpu.memory_space<semaphore_mem>>) src(%dma_wait3A_44 : memref<8x4096xi32, #tpu.memory_space<hbm>>) dst(%arg4 : memref<8x4096xi32, #tpu.memory_space<vmem>>)
        tpu.yield
      }) : () -> ()
      %scan3A_31 = arith.constant 0 : i32
      %scan3A_32 = arith.constant 0 : i32
      %scan3A_33 = arith.constant 256 : i32
      %scan3A_34 = arith.addi %scan3A_32, %scan3A_33 : i32
      %scan3A_35 = arith.constant 1 : i32
      %scan3A_36 = scf.for %scan3A_39 = %scan3A_32 to %scan3A_34 step %scan3A_35 iter_args(%scan3A_40 = %scan3A_31) -> (i32)  : i32 {
        %mul3A_41 = arith.constant 16 : i32
        %mul3A_42 = arith.muli %scan3A_39, %mul3A_41 : i32
        %get3A = arith.constant 0 : i32
        %get3A_43 = arith.index_cast %get3A : i32 to index
        %get3A_44 = arith.index_cast %mul3A_42 : i32 to index
        %get3A_45 = tpu.vector_load %arg4[%get3A_43, %get3A_44] {strides = array<i32>} : memref<8x4096xi32, #tpu.memory_space<vmem>>, vector<16xi32>,
        %add3A_46 = arith.addi %mul3A_3, %get3A_45 : vector<16xi32>
        %lt3A = arith.constant 1536 : i32
        %lt3A_47 = vector.broadcast %lt3A : i32 to vector<16xi32>
        %lt3A_48 = arith.cmpi slt, %get3A_45, %lt3A_47 : vector<16xi32>
        tpu.vector_store_idx %arg5[%add3A_46], %broadcast_in_dim3A_4 masked %lt3A_48 {add = true} : memref<24832xi32, #tpu.memory_space<vmem>>[vector<16xi32>], vector<16xi32>, vector<16xi1>
        %mul3A_49 = arith.constant 16 : i32
        %mul3A_50 = arith.muli %scan3A_39, %mul3A_49 : i32
        %get3A_51 = arith.constant 1 : i32
        %get3A_52 = arith.index_cast %get3A_51 : i32 to index
        %get3A_53 = arith.index_cast %mul3A_50 : i32 to index
        %get3A_54 = tpu.vector_load %arg4[%get3A_52, %get3A_53] {strides = array<i32>} : memref<8x4096xi32, #tpu.memory_space<vmem>>, vector<16xi32>,
        %add3A_55 = arith.addi %mul3A_3, %get3A_54 : vector<16xi32>
        %lt3A_56 = arith.constant 1536 : i32
        %lt3A_57 = vector.broadcast %lt3A_56 : i32 to vector<16xi32>
        %lt3A_58 = arith.cmpi slt, %get3A_54, %lt3A_57 : vector<16xi32>
        tpu.vector_store_idx %arg5[%add3A_55], %broadcast_in_dim3A_4 masked %lt3A_58 {add = true} : memref<24832xi32, #tpu.memory_space<vmem>>[vector<16xi32>], vector<16xi32>, vector<16xi1>
        %mul3A_59 = arith.constant 16 : i32
        %mul3A_60 = arith.muli %scan3A_39, %mul3A_59 : i32
        %get3A_61 = arith.constant 2 : i32
        %get3A_62 = arith.index_cast %get3A_61 : i32 to index
        %get3A_63 = arith.index_cast %mul3A_60 : i32 to index
        %get3A_64 = tpu.vector_load %arg4[%get3A_62, %get3A_63] {strides = array<i32>} : memref<8x4096xi32, #tpu.memory_space<vmem>>, vector<16xi32>,
        %add3A_65 = arith.addi %mul3A_3, %get3A_64 : vector<16xi32>
        %lt3A_66 = arith.constant 1536 : i32
        %lt3A_67 = vector.broadcast %lt3A_66 : i32 to vector<16xi32>
        %lt3A_68 = arith.cmpi slt, %get3A_64, %lt3A_67 : vector<16xi32>
        tpu.vector_store_idx %arg5[%add3A_65], %broadcast_in_dim3A_4 masked %lt3A_68 {add = true} : memref<24832xi32, #tpu.memory_space<vmem>>[vector<16xi32>], vector<16xi32>, vector<16xi1>
        %mul3A_69 = arith.constant 16 : i32
        %mul3A_70 = arith.muli %scan3A_39, %mul3A_69 : i32
        %get3A_71 = arith.constant 3 : i32
        %get3A_72 = arith.index_cast %get3A_71 : i32 to index
        %get3A_73 = arith.index_cast %mul3A_70 : i32 to index
        %get3A_74 = tpu.vector_load %arg4[%get3A_72, %get3A_73] {strides = array<i32>} : memref<8x4096xi32, #tpu.memory_space<vmem>>, vector<16xi32>,
        %add3A_75 = arith.addi %mul3A_3, %get3A_74 : vector<16xi32>
        %lt3A_76 = arith.constant 1536 : i32
        %lt3A_77 = vector.broadcast %lt3A_76 : i32 to vector<16xi32>
        %lt3A_78 = arith.cmpi slt, %get3A_74, %lt3A_77 : vector<16xi32>
        tpu.vector_store_idx %arg5[%add3A_75], %broadcast_in_dim3A_4 masked %lt3A_78 {add = true} : memref<24832xi32, #tpu.memory_space<vmem>>[vector<16xi32>], vector<16xi32>, vector<16xi1>
        %mul3A_79 = arith.constant 16 : i32
        %mul3A_80 = arith.muli %scan3A_39, %mul3A_79 : i32
        %get3A_81 = arith.constant 4 : i32
        %get3A_82 = arith.index_cast %get3A_81 : i32 to index
        %get3A_83 = arith.index_cast %mul3A_80 : i32 to index
        %get3A_84 = tpu.vector_load %arg4[%get3A_82, %get3A_83] {strides = array<i32>} : memref<8x4096xi32, #tpu.memory_space<vmem>>, vector<16xi32>,
        %add3A_85 = arith.addi %mul3A_3, %get3A_84 : vector<16xi32>
        %lt3A_86 = arith.constant 1536 : i32
        %lt3A_87 = vector.broadcast %lt3A_86 : i32 to vector<16xi32>
        %lt3A_88 = arith.cmpi slt, %get3A_84, %lt3A_87 : vector<16xi32>
        tpu.vector_store_idx %arg5[%add3A_85], %broadcast_in_dim3A_4 masked %lt3A_88 {add = true} : memref<24832xi32, #tpu.memory_space<vmem>>[vector<16xi32>], vector<16xi32>, vector<16xi1>
        %mul3A_89 = arith.constant 16 : i32
        %mul3A_90 = arith.muli %scan3A_39, %mul3A_89 : i32
        %get3A_91 = arith.constant 5 : i32
        %get3A_92 = arith.index_cast %get3A_91 : i32 to index
        %get3A_93 = arith.index_cast %mul3A_90 : i32 to index
        %get3A_94 = tpu.vector_load %arg4[%get3A_92, %get3A_93] {strides = array<i32>} : memref<8x4096xi32, #tpu.memory_space<vmem>>, vector<16xi32>,
        %add3A_95 = arith.addi %mul3A_3, %get3A_94 : vector<16xi32>
        %lt3A_96 = arith.constant 1536 : i32
        %lt3A_97 = vector.broadcast %lt3A_96 : i32 to vector<16xi32>
        %lt3A_98 = arith.cmpi slt, %get3A_94, %lt3A_97 : vector<16xi32>
        tpu.vector_store_idx %arg5[%add3A_95], %broadcast_in_dim3A_4 masked %lt3A_98 {add = true} : memref<24832xi32, #tpu.memory_space<vmem>>[vector<16xi32>], vector<16xi32>, vector<16xi1>
        %mul3A_99 = arith.constant 16 : i32
        %mul3A_100 = arith.muli %scan3A_39, %mul3A_99 : i32
        %get3A_101 = arith.constant 6 : i32
        %get3A_102 = arith.index_cast %get3A_101 : i32 to index
        %get3A_103 = arith.index_cast %mul3A_100 : i32 to index
        %get3A_104 = tpu.vector_load %arg4[%get3A_102, %get3A_103] {strides = array<i32>} : memref<8x4096xi32, #tpu.memory_space<vmem>>, vector<16xi32>,
        %add3A_105 = arith.addi %mul3A_3, %get3A_104 : vector<16xi32>
        %lt3A_106 = arith.constant 1536 : i32
        %lt3A_107 = vector.broadcast %lt3A_106 : i32 to vector<16xi32>
        %lt3A_108 = arith.cmpi slt, %get3A_104, %lt3A_107 : vector<16xi32>
        tpu.vector_store_idx %arg5[%add3A_105], %broadcast_in_dim3A_4 masked %lt3A_108 {add = true} : memref<24832xi32, #tpu.memory_space<vmem>>[vector<16xi32>], vector<16xi32>, vector<16xi1>
        %mul3A_109 = arith.constant 16 : i32
        %mul3A_110 = arith.muli %scan3A_39, %mul3A_109 : i32
        %get3A_111 = arith.constant 7 : i32
        %get3A_112 = arith.index_cast %get3A_111 : i32 to index
        %get3A_113 = arith.index_cast %mul3A_110 : i32 to index
        %get3A_114 = tpu.vector_load %arg4[%get3A_112, %get3A_113] {strides = array<i32>} : memref<8x4096xi32, #tpu.memory_space<vmem>>, vector<16xi32>,
        %add3A_115 = arith.addi %mul3A_3, %get3A_114 : vector<16xi32>
        %lt3A_116 = arith.constant 1536 : i32
        %lt3A_117 = vector.broadcast %lt3A_116 : i32 to vector<16xi32>
        %lt3A_118 = arith.cmpi slt, %get3A_114, %lt3A_117 : vector<16xi32>
        tpu.vector_store_idx %arg5[%add3A_115], %broadcast_in_dim3A_4 masked %lt3A_118 {add = true} : memref<24832xi32, #tpu.memory_space<vmem>>[vector<16xi32>], vector<16xi32>, vector<16xi1>
        %scan3A_119 = arith.constant 0 : i32
        scf.yield %scan3A_119 : i32
      }
      %scan3A_37 = arith.constant 256 : i32
      %scan3A_38 = arith.constant 0 : i32
      scf.yield %scan3A_38 : i32
    }
    %scan3A_19 = arith.constant 4 : i32
    %mul3A_20 = arith.constant 16 : i32
    %mul3A_21 = arith.muli %add3A, %mul3A_20 : i32
    %mul3A_22 = arith.constant 1552 : i32
    %mul3A_23 = arith.muli %mul3A_21, %mul3A_22 : i32
    "tpu.region"() ({
      %run_scoped3A = tpu.sem_alloc : memref<!tpu.dma_semaphore, #tpu.memory_space<semaphore_mem>>
      %dma_start3A = tpu.memref_slice %arg3[%mul3A_23] : memref<794624xi32, #tpu.memory_space<hbm>> -> memref<24832xi32, #tpu.memory_space<hbm>>
      %dma_start3A_24 = tpu.memref_slice %arg3[%mul3A_23] : memref<794624xi32, #tpu.memory_space<hbm>> -> memref<24832xi32, #tpu.memory_space<hbm>>
      tpu.enqueue_dma source(%arg5 : memref<24832xi32, #tpu.memory_space<vmem>>) target(%dma_start3A_24 : memref<24832xi32, #tpu.memory_space<hbm>>) target_semaphore(%run_scoped3A : memref<!tpu.dma_semaphore, #tpu.memory_space<semaphore_mem>>)
      %dma_wait3A = tpu.memref_slice %arg3[%mul3A_23] : memref<794624xi32, #tpu.memory_space<hbm>> -> memref<24832xi32, #tpu.memory_space<hbm>>
      %dma_wait3A_25 = tpu.memref_slice %arg3[%mul3A_23] : memref<794624xi32, #tpu.memory_space<hbm>> -> memref<24832xi32, #tpu.memory_space<hbm>>
      tpu.wait_dma2 semaphore(%run_scoped3A : memref<!tpu.dma_semaphore, #tpu.memory_space<semaphore_mem>>) src(%arg5 : memref<24832xi32, #tpu.memory_space<vmem>>) dst(%dma_wait3A_25 : memref<24832xi32, #tpu.memory_space<hbm>>)
      tpu.yield
    }) : () -> ()
    return
  }
}

module attributes {stable_mosaic.version = 14 : i64} {
  func.func @_pairs_kernel(%arg0: i32, %arg1: memref<128x8xf32, #tpu.memory_space<vmem>>, %arg2: memref<8x4096xf32, #tpu.memory_space<vmem>>, %arg3: memref<4096x8xf32, #tpu.memory_space<vmem>>, %arg4: memref<1x8xf32, #tpu.memory_space<vmem>>, %arg5: memref<128x4096xi32, #tpu.memory_space<vmem>>, %arg6: memref<128x8xf32, #tpu.memory_space<vmem>>) attributes {dimension_semantics = [#tpu.dimension_semantics<arbitrary>], iteration_bounds = array<i64: 8>, scalar_prefetch = 0 : i64, scratch_operands = 0 : i64, tpu.core_type = #tpu.core_type<tc>, window_params = [{transform_indices = @transform_0, window_bounds = array<i64: 128, 8>}, {pipeline_mode = #tpu.pipeline_mode<synchronous>, transform_indices = @transform_1, window_bounds = array<i64: 8, 4096>}, {pipeline_mode = #tpu.pipeline_mode<synchronous>, transform_indices = @transform_2, window_bounds = array<i64: 4096, 8>}, {pipeline_mode = #tpu.pipeline_mode<synchronous>, transform_indices = @transform_3, window_bounds = array<i64: 1, 8>}, {transform_indices = @transform_4, window_bounds = array<i64: 128, 4096>}, {transform_indices = @transform_5, window_bounds = array<i64: 128, 8>}]} {
    %get3A = arith.constant 0 : index
    %get3A_0 = arith.constant 0 : index
    %get3A_1 = vector.load %arg4[%get3A, %get3A_0] : memref<1x8xf32, #tpu.memory_space<vmem>>, vector<1x1xf32>
    %get3A_2 = vector.extract %get3A_1[0, 0] : f32 from vector<1x1xf32>
    %convert_element_type3A = arith.truncf %get3A_2 : f32 to bf16
    %convert_element_type3A_3 = arith.extf %convert_element_type3A : bf16 to f32
    %get3A_4 = arith.constant 0 : index
    %get3A_5 = arith.constant 1 : index
    %get3A_6 = vector.load %arg4[%get3A_4, %get3A_5] : memref<1x8xf32, #tpu.memory_space<vmem>>, vector<1x1xf32>
    %get3A_7 = vector.extract %get3A_6[0, 0] : f32 from vector<1x1xf32>
    %get3A_8 = arith.constant 0 : index
    %get3A_9 = arith.constant 2 : index
    %get3A_10 = vector.load %arg4[%get3A_8, %get3A_9] : memref<1x8xf32, #tpu.memory_space<vmem>>, vector<1x1xf32>
    %get3A_11 = vector.extract %get3A_10[0, 0] : f32 from vector<1x1xf32>
    %get3A_12 = arith.constant 0 : index
    %get3A_13 = arith.constant 3 : index
    %get3A_14 = vector.load %arg4[%get3A_12, %get3A_13] : memref<1x8xf32, #tpu.memory_space<vmem>>, vector<1x1xf32>
    %get3A_15 = vector.extract %get3A_14[0, 0] : f32 from vector<1x1xf32>
    %get3A_16 = arith.constant 0 : index
    %get3A_17 = arith.constant 4 : index
    %get3A_18 = vector.load %arg4[%get3A_16, %get3A_17] : memref<1x8xf32, #tpu.memory_space<vmem>>, vector<1x1xf32>
    %get3A_19 = vector.extract %get3A_18[0, 0] : f32 from vector<1x1xf32>
    %get3A_20 = arith.constant 0 : index
    %get3A_21 = arith.constant 0 : index
    %get3A_22 = vector.load %arg1[%get3A_20, %get3A_21] : memref<128x8xf32, #tpu.memory_space<vmem>>, vector<128x1xf32>
    %get3A_23 = arith.constant 0 : index
    %get3A_24 = arith.constant 1 : index
    %get3A_25 = vector.load %arg1[%get3A_23, %get3A_24] : memref<128x8xf32, #tpu.memory_space<vmem>>, vector<128x1xf32>
    %get3A_26 = arith.constant 0 : index
    %get3A_27 = arith.constant 2 : index
    %get3A_28 = vector.load %arg1[%get3A_26, %get3A_27] : memref<128x8xf32, #tpu.memory_space<vmem>>, vector<128x1xf32>
    %get3A_29 = arith.constant 0 : index
    %get3A_30 = arith.constant 3 : index
    %get3A_31 = vector.load %arg1[%get3A_29, %get3A_30] : memref<128x8xf32, #tpu.memory_space<vmem>>, vector<128x1xf32>
    %get3A_32 = arith.constant 0 : index
    %get3A_33 = arith.constant 0 : index
    %get3A_34 = vector.load %arg2[%get3A_32, %get3A_33] : memref<8x4096xf32, #tpu.memory_space<vmem>>, vector<1x4096xf32>
    %get3A_35 = arith.constant 1 : index
    %get3A_36 = arith.constant 0 : index
    %get3A_37 = vector.load %arg2[%get3A_35, %get3A_36] : memref<8x4096xf32, #tpu.memory_space<vmem>>, vector<1x4096xf32>
    %get3A_38 = arith.constant 2 : index
    %get3A_39 = arith.constant 0 : index
    %get3A_40 = vector.load %arg2[%get3A_38, %get3A_39] : memref<8x4096xf32, #tpu.memory_space<vmem>>, vector<1x4096xf32>
    %get3A_41 = arith.constant 3 : index
    %get3A_42 = arith.constant 0 : index
    %get3A_43 = vector.load %arg2[%get3A_41, %get3A_42] : memref<8x4096xf32, #tpu.memory_space<vmem>>, vector<1x4096xf32>
    %sub3A = vector.broadcast %get3A_22 : vector<128x1xf32> to vector<128x4096xf32>
    %sub3A_44 = vector.broadcast %get3A_34 : vector<1x4096xf32> to vector<128x4096xf32>
    %sub3A_45 = arith.subf %sub3A, %sub3A_44 : vector<128x4096xf32>
    %round3A = math.roundeven %sub3A_45 : vector<128x4096xf32>
    %sub3A_46 = arith.subf %sub3A_45, %round3A : vector<128x4096xf32>
    %convert_element_type3A_47 = arith.truncf %sub3A_46 : vector<128x4096xf32> to vector<128x4096xbf16>
    %convert_element_type3A_48 = arith.extf %convert_element_type3A_47 : vector<128x4096xbf16> to vector<128x4096xf32>
    %mul3A = vector.broadcast %convert_element_type3A_3 : f32 to vector<128x4096xf32>
    %mul3A_49 = arith.mulf %convert_element_type3A_48, %mul3A : vector<128x4096xf32>
    %sub3A_50 = vector.broadcast %get3A_25 : vector<128x1xf32> to vector<128x4096xf32>
    %sub3A_51 = vector.broadcast %get3A_37 : vector<1x4096xf32> to vector<128x4096xf32>
    %sub3A_52 = arith.subf %sub3A_50, %sub3A_51 : vector<128x4096xf32>
    %round3A_53 = math.roundeven %sub3A_52 : vector<128x4096xf32>
    %sub3A_54 = arith.subf %sub3A_52, %round3A_53 : vector<128x4096xf32>
    %convert_element_type3A_55 = arith.truncf %sub3A_54 : vector<128x4096xf32> to vector<128x4096xbf16>
    %convert_element_type3A_56 = arith.extf %convert_element_type3A_55 : vector<128x4096xbf16> to vector<128x4096xf32>
    %mul3A_57 = vector.broadcast %convert_element_type3A_3 : f32 to vector<128x4096xf32>
    %mul3A_58 = arith.mulf %convert_element_type3A_56, %mul3A_57 : vector<128x4096xf32>
    %sub3A_59 = vector.broadcast %get3A_28 : vector<128x1xf32> to vector<128x4096xf32>
    %sub3A_60 = vector.broadcast %get3A_40 : vector<1x4096xf32> to vector<128x4096xf32>
    %sub3A_61 = arith.subf %sub3A_59, %sub3A_60 : vector<128x4096xf32>
    %round3A_62 = math.roundeven %sub3A_61 : vector<128x4096xf32>
    %sub3A_63 = arith.subf %sub3A_61, %round3A_62 : vector<128x4096xf32>
    %convert_element_type3A_64 = arith.truncf %sub3A_63 : vector<128x4096xf32> to vector<128x4096xbf16>
    %convert_element_type3A_65 = arith.extf %convert_element_type3A_64 : vector<128x4096xbf16> to vector<128x4096xf32>
    %mul3A_66 = vector.broadcast %convert_element_type3A_3 : f32 to vector<128x4096xf32>
    %mul3A_67 = arith.mulf %convert_element_type3A_65, %mul3A_66 : vector<128x4096xf32>
    %mul3A_68 = arith.mulf %mul3A_49, %mul3A_49 : vector<128x4096xf32>
    %mul3A_69 = arith.mulf %mul3A_58, %mul3A_58 : vector<128x4096xf32>
    %add3A = arith.addf %mul3A_68, %mul3A_69 : vector<128x4096xf32>
    %mul3A_70 = arith.mulf %mul3A_67, %mul3A_67 : vector<128x4096xf32>
    %add3A_71 = arith.addf %add3A, %mul3A_70 : vector<128x4096xf32>
    %add3A_72 = arith.constant 9.99999996E-13 : f32
    %add3A_73 = vector.broadcast %add3A_72 : f32 to vector<128x4096xf32>
    %add3A_74 = arith.addf %add3A_71, %add3A_73 : vector<128x4096xf32>
    %sqrt3A = math.sqrt %add3A_74 : vector<128x4096xf32>
    %get3A_75 = arith.constant 0 : index
    %get3A_76 = arith.constant 5 : index
    %get3A_77 = vector.load %arg4[%get3A_75, %get3A_76] : memref<1x8xf32, #tpu.memory_space<vmem>>, vector<1x1xf32>
    %get3A_78 = vector.extract %get3A_77[0, 0] : f32 from vector<1x1xf32>
    %convert_element_type3A_79 = arith.fptosi %get3A_78 : f32 to i32
    %mul3A_80 = arith.constant 128 : i32
    %mul3A_81 = arith.muli %arg0, %mul3A_80 : i32
    %add3A_82 = arith.addi %convert_element_type3A_79, %mul3A_81 : i32
    %iota3A = tpu.iota {dimensions = array<i32: 0>} : vector<128x4096xi32>
    %add3A_83 = vector.broadcast %add3A_82 : i32 to vector<128x4096xi32>
    %add3A_84 = arith.addi %add3A_83, %iota3A : vector<128x4096xi32>
    %iota3A_85 = tpu.iota {dimensions = array<i32: 1>} : vector<128x4096xi32>
    %eq3A = arith.cmpi eq, %add3A_84, %iota3A_85 : vector<128x4096xi32>
    %sub3A_86 = vector.broadcast %get3A_7 : f32 to vector<128x4096xf32>
    %sub3A_87 = arith.subf %sqrt3A, %sub3A_86 : vector<128x4096xf32>
    %div3A = vector.broadcast %get3A_11 : f32 to vector<128x4096xf32>
    %div3A_88 = arith.divf %sub3A_87, %div3A : vector<128x4096xf32>
    %floor3A = math.floor %div3A_88 : vector<128x4096xf32>
    %convert_element_type3A_89 = arith.fptosi %floor3A : vector<128x4096xf32> to vector<128x4096xi32>
    %jit3A = arith.constant 0 : i32
    %jit3A_90 = arith.constant 499 : i32
    %max3A = vector.broadcast %jit3A : i32 to vector<128x4096xi32>
    %max3A_91 = arith.maxsi %max3A, %convert_element_type3A_89 : vector<128x4096xi32>
    %min3A = vector.broadcast %jit3A_90 : i32 to vector<128x4096xi32>
    %min3A_92 = arith.minsi %min3A, %max3A_91 : vector<128x4096xi32>
    %ge3A = vector.broadcast %get3A_7 : f32 to vector<128x4096xf32>
    %ge3A_93 = arith.cmpf oge, %sqrt3A, %ge3A : vector<128x4096xf32>
    %add3A_94 = arith.addf %get3A_15, %get3A_11 : f32
    %lt3A = vector.broadcast %add3A_94 : f32 to vector<128x4096xf32>
    %lt3A_95 = arith.cmpf olt, %sqrt3A, %lt3A : vector<128x4096xf32>
    %and3A = arith.andi %ge3A_93, %lt3A_95 : vector<128x4096xi1>
    %gt3A = arith.cmpi sgt, %iota3A_85, %add3A_84 : vector<128x4096xi32>
    %and3A_96 = arith.andi %and3A, %gt3A : vector<128x4096xi1>
    %add3A_97 = vector.broadcast %get3A_31 : vector<128x1xf32> to vector<128x4096xf32>
    %add3A_98 = vector.broadcast %get3A_43 : vector<1x4096xf32> to vector<128x4096xf32>
    %add3A_99 = arith.addf %add3A_97, %add3A_98 : vector<128x4096xf32>
    %convert_element_type3A_100 = arith.fptosi %add3A_99 : vector<128x4096xf32> to vector<128x4096xi32>
    %mul3A_101 = arith.constant 512 : i32
    %mul3A_102 = vector.broadcast %mul3A_101 : i32 to vector<128x4096xi32>
    %mul3A_103 = arith.muli %convert_element_type3A_100, %mul3A_102 : vector<128x4096xi32>
    %add3A_104 = arith.addi %min3A_92, %mul3A_103 : vector<128x4096xi32>
    %jit3A_105 = arith.constant 1536 : i32
    %broadcast_in_dim3A = vector.broadcast %jit3A_105 : i32 to vector<128x4096xi32>
    %select_n3A = arith.select %and3A_96, %add3A_104, %broadcast_in_dim3A : vector<128x4096xi1>, vector<128x4096xi32>
    %swap3A = arith.constant 0 : index
    %swap3A_106 = arith.constant 0 : index
    %swap3A_107 = vector.load %arg5[%swap3A, %swap3A_106] : memref<128x4096xi32, #tpu.memory_space<vmem>>, vector<128x4096xi32>
    tpu.vector_store %arg5[%swap3A, %swap3A_106], %select_n3A {strides = array<i32>} : memref<128x4096xi32, #tpu.memory_space<vmem>>, vector<128x4096xi32>,
    %lt3A_108 = arith.constant 5.000000e-01 : f32
    %lt3A_109 = vector.broadcast %lt3A_108 : f32 to vector<1x4096xf32>
    %lt3A_110 = arith.cmpf olt, %get3A_43, %lt3A_109 : vector<1x4096xf32>
    %or3A = vector.broadcast %lt3A_110 : vector<1x4096xi1> to vector<128x4096xi1>
    %or3A_111 = arith.ori %eq3A, %or3A : vector<128x4096xi1>
    %jit3A_112 = arith.constant 1.000000e+06 : f32
    %jit3A_113 = arith.constant 0.000000e+00 : f32
    %broadcast_in_dim3A_114 = vector.broadcast %jit3A_112 : f32 to vector<128x4096xf32>
    %broadcast_in_dim3A_115 = vector.broadcast %jit3A_113 : f32 to vector<128x4096xf32>
    %select_n3A_116 = arith.select %or3A_111, %broadcast_in_dim3A_114, %broadcast_in_dim3A_115 : vector<128x4096xi1>, vector<128x4096xf32>
    %add3A_117 = arith.addf %sqrt3A, %select_n3A_116 : vector<128x4096xf32>
    %reduce_min3A = arith.constant dense<0x7F800000> : vector<128xf32>
    %reduce_min3A_118 = vector.multi_reduction <minimumf>, %add3A_117, %reduce_min3A [1] : vector<128x4096xf32> to vector<128xf32>
    %broadcast_in_dim3A_119 = vector.shape_cast %reduce_min3A_118 : vector<128xf32> to vector<128x1xf32>
    %eq3A_120 = vector.broadcast %broadcast_in_dim3A_119 : vector<128x1xf32> to vector<128x4096xf32>
    %eq3A_121 = arith.cmpf oeq, %add3A_117, %eq3A_120 : vector<128x4096xf32>
    %jit3A_122 = arith.constant 4096 : i32
    %broadcast_in_dim3A_123 = vector.broadcast %jit3A_122 : i32 to vector<128x4096xi32>
    %select_n3A_124 = arith.select %eq3A_121, %iota3A_85, %broadcast_in_dim3A_123 : vector<128x4096xi1>, vector<128x4096xi32>
    %reduce_min3A_125 = arith.constant dense<2147483647> : vector<128xi32>
    %reduce_min3A_126 = vector.multi_reduction <minsi>, %select_n3A_124, %reduce_min3A_125 [1] : vector<128x4096xi32> to vector<128xi32>
    %broadcast_in_dim3A_127 = vector.shape_cast %reduce_min3A_126 : vector<128xi32> to vector<128x1xi32>
    %eq3A_128 = vector.broadcast %broadcast_in_dim3A_127 : vector<128x1xi32> to vector<128x4096xi32>
    %eq3A_129 = arith.cmpi eq, %iota3A_85, %eq3A_128 : vector<128x4096xi32>
    %convert_element_type3A_130 = arith.extui %eq3A_129 : vector<128x4096xi1> to vector<128x4096xi32>
    %convert_element_type3A_131 = arith.sitofp %convert_element_type3A_130 : vector<128x4096xi32> to vector<128x4096xf32>
    %get3A_132 = arith.constant 0 : index
    %get3A_133 = arith.constant 0 : index
    %get3A_134 = vector.load %arg3[%get3A_132, %get3A_133] : memref<4096x8xf32, #tpu.memory_space<vmem>>, vector<4096x8xf32>
    %dot_general3A = arith.constant dense<0.000000e+00> : vector<128x8xf32>
    %dot_general3A_135 = tpu.matmul %convert_element_type3A_131, %get3A_134, %dot_general3A {dimension_numbers = #tpu.dot_dimension_numbers<[1], [0], [0], [1], [0, 0, 1, 1], [], []>, precision = #tpu.contract_precision<fp32>, transpose_lhs_hint = false} : vector<128x4096xf32>, vector<4096x8xf32>, vector<128x8xf32> -> vector<128x8xf32>
    %slice3A = vector.extract_strided_slice %dot_general3A_135 {offsets = [0, 0], sizes = [128, 1], strides = [1, 1]} : vector<128x8xf32> to vector<128x1xf32>
    %sub3A_136 = arith.subf %slice3A, %get3A_22 : vector<128x1xf32>
    %round3A_137 = math.roundeven %sub3A_136 : vector<128x1xf32>
    %sub3A_138 = arith.subf %sub3A_136, %round3A_137 : vector<128x1xf32>
    %convert_element_type3A_139 = arith.truncf %sub3A_138 : vector<128x1xf32> to vector<128x1xbf16>
    %convert_element_type3A_140 = arith.extf %convert_element_type3A_139 : vector<128x1xbf16> to vector<128x1xf32>
    %mul3A_141 = vector.broadcast %convert_element_type3A_3 : f32 to vector<128x1xf32>
    %mul3A_142 = arith.mulf %convert_element_type3A_140, %mul3A_141 : vector<128x1xf32>
    %slice3A_143 = vector.extract_strided_slice %dot_general3A_135 {offsets = [0, 1], sizes = [128, 1], strides = [1, 1]} : vector<128x8xf32> to vector<128x1xf32>
    %sub3A_144 = arith.subf %slice3A_143, %get3A_25 : vector<128x1xf32>
    %round3A_145 = math.roundeven %sub3A_144 : vector<128x1xf32>
    %sub3A_146 = arith.subf %sub3A_144, %round3A_145 : vector<128x1xf32>
    %convert_element_type3A_147 = arith.truncf %sub3A_146 : vector<128x1xf32> to vector<128x1xbf16>
    %convert_element_type3A_148 = arith.extf %convert_element_type3A_147 : vector<128x1xbf16> to vector<128x1xf32>
    %mul3A_149 = vector.broadcast %convert_element_type3A_3 : f32 to vector<128x1xf32>
    %mul3A_150 = arith.mulf %convert_element_type3A_148, %mul3A_149 : vector<128x1xf32>
    %slice3A_151 = vector.extract_strided_slice %dot_general3A_135 {offsets = [0, 2], sizes = [128, 1], strides = [1, 1]} : vector<128x8xf32> to vector<128x1xf32>
    %sub3A_152 = arith.subf %slice3A_151, %get3A_28 : vector<128x1xf32>
    %round3A_153 = math.roundeven %sub3A_152 : vector<128x1xf32>
    %sub3A_154 = arith.subf %sub3A_152, %round3A_153 : vector<128x1xf32>
    %convert_element_type3A_155 = arith.truncf %sub3A_154 : vector<128x1xf32> to vector<128x1xbf16>
    %convert_element_type3A_156 = arith.extf %convert_element_type3A_155 : vector<128x1xbf16> to vector<128x1xf32>
    %mul3A_157 = vector.broadcast %convert_element_type3A_3 : f32 to vector<128x1xf32>
    %mul3A_158 = arith.mulf %convert_element_type3A_156, %mul3A_157 : vector<128x1xf32>
    %mul3A_159 = arith.mulf %mul3A_142, %mul3A_142 : vector<128x1xf32>
    %mul3A_160 = arith.mulf %mul3A_150, %mul3A_150 : vector<128x1xf32>
    %add3A_161 = arith.addf %mul3A_159, %mul3A_160 : vector<128x1xf32>
    %mul3A_162 = arith.mulf %mul3A_158, %mul3A_158 : vector<128x1xf32>
    %add3A_163 = arith.addf %add3A_161, %mul3A_162 : vector<128x1xf32>
    %sqrt3A_164 = math.sqrt %add3A_163 : vector<128x1xf32>
    %add3A_165 = arith.constant 9.99999996E-13 : f32
    %add3A_166 = vector.broadcast %add3A_165 : f32 to vector<128x1xf32>
    %add3A_167 = arith.addf %sqrt3A_164, %add3A_166 : vector<128x1xf32>
    %div3A_168 = arith.divf %mul3A_142, %add3A_167 : vector<128x1xf32>
    %convert_element_type3A_169 = arith.truncf %div3A_168 : vector<128x1xf32> to vector<128x1xbf16>
    %convert_element_type3A_170 = arith.extf %convert_element_type3A_169 : vector<128x1xbf16> to vector<128x1xf32>
    %div3A_171 = arith.divf %mul3A_150, %add3A_167 : vector<128x1xf32>
    %convert_element_type3A_172 = arith.truncf %div3A_171 : vector<128x1xf32> to vector<128x1xbf16>
    %convert_element_type3A_173 = arith.extf %convert_element_type3A_172 : vector<128x1xbf16> to vector<128x1xf32>
    %div3A_174 = arith.divf %mul3A_158, %add3A_167 : vector<128x1xf32>
    %convert_element_type3A_175 = arith.truncf %div3A_174 : vector<128x1xf32> to vector<128x1xbf16>
    %convert_element_type3A_176 = arith.extf %convert_element_type3A_175 : vector<128x1xbf16> to vector<128x1xf32>
    %jit3A_177 = arith.constant 1.000000e+09 : f32
    %broadcast_in_dim3A_178 = vector.broadcast %jit3A_177 : f32 to vector<128x4096xf32>
    %select_n3A_179 = arith.select %eq3A_129, %broadcast_in_dim3A_178, %add3A_117 : vector<128x4096xi1>, vector<128x4096xf32>
    %reduce_min3A_180 = arith.constant dense<0x7F800000> : vector<128xf32>
    %reduce_min3A_181 = vector.multi_reduction <minimumf>, %select_n3A_179, %reduce_min3A_180 [1] : vector<128x4096xf32> to vector<128xf32>
    %broadcast_in_dim3A_182 = vector.shape_cast %reduce_min3A_181 : vector<128xf32> to vector<128x1xf32>
    %eq3A_183 = vector.broadcast %broadcast_in_dim3A_182 : vector<128x1xf32> to vector<128x4096xf32>
    %eq3A_184 = arith.cmpf oeq, %select_n3A_179, %eq3A_183 : vector<128x4096xf32>
    %jit3A_185 = arith.constant 4096 : i32
    %broadcast_in_dim3A_186 = vector.broadcast %jit3A_185 : i32 to vector<128x4096xi32>
    %select_n3A_187 = arith.select %eq3A_184, %iota3A_85, %broadcast_in_dim3A_186 : vector<128x4096xi1>, vector<128x4096xi32>
    %reduce_min3A_188 = arith.constant dense<2147483647> : vector<128xi32>
    %reduce_min3A_189 = vector.multi_reduction <minsi>, %select_n3A_187, %reduce_min3A_188 [1] : vector<128x4096xi32> to vector<128xi32>
    %broadcast_in_dim3A_190 = vector.shape_cast %reduce_min3A_189 : vector<128xi32> to vector<128x1xi32>
    %eq3A_191 = vector.broadcast %broadcast_in_dim3A_190 : vector<128x1xi32> to vector<128x4096xi32>
    %eq3A_192 = arith.cmpi eq, %iota3A_85, %eq3A_191 : vector<128x4096xi32>
    %convert_element_type3A_193 = arith.extui %eq3A_192 : vector<128x4096xi1> to vector<128x4096xi32>
    %convert_element_type3A_194 = arith.sitofp %convert_element_type3A_193 : vector<128x4096xi32> to vector<128x4096xf32>
    %get3A_195 = arith.constant 0 : index
    %get3A_196 = arith.constant 0 : index
    %get3A_197 = vector.load %arg3[%get3A_195, %get3A_196] : memref<4096x8xf32, #tpu.memory_space<vmem>>, vector<4096x8xf32>
    %dot_general3A_198 = arith.constant dense<0.000000e+00> : vector<128x8xf32>
    %dot_general3A_199 = tpu.matmul %convert_element_type3A_194, %get3A_197, %dot_general3A_198 {dimension_numbers = #tpu.dot_dimension_numbers<[1], [0], [0], [1], [0, 0, 1, 1], [], []>, precision = #tpu.contract_precision<fp32>, transpose_lhs_hint = false} : vector<128x4096xf32>, vector<4096x8xf32>, vector<128x8xf32> -> vector<128x8xf32>
    %slice3A_200 = vector.extract_strided_slice %dot_general3A_199 {offsets = [0, 0], sizes = [128, 1], strides = [1, 1]} : vector<128x8xf32> to vector<128x1xf32>
    %sub3A_201 = arith.subf %slice3A_200, %get3A_22 : vector<128x1xf32>
    %round3A_202 = math.roundeven %sub3A_201 : vector<128x1xf32>
    %sub3A_203 = arith.subf %sub3A_201, %round3A_202 : vector<128x1xf32>
    %convert_element_type3A_204 = arith.truncf %sub3A_203 : vector<128x1xf32> to vector<128x1xbf16>
    %convert_element_type3A_205 = arith.extf %convert_element_type3A_204 : vector<128x1xbf16> to vector<128x1xf32>
    %mul3A_206 = vector.broadcast %convert_element_type3A_3 : f32 to vector<128x1xf32>
    %mul3A_207 = arith.mulf %convert_element_type3A_205, %mul3A_206 : vector<128x1xf32>
    %slice3A_208 = vector.extract_strided_slice %dot_general3A_199 {offsets = [0, 1], sizes = [128, 1], strides = [1, 1]} : vector<128x8xf32> to vector<128x1xf32>
    %sub3A_209 = arith.subf %slice3A_208, %get3A_25 : vector<128x1xf32>
    %round3A_210 = math.roundeven %sub3A_209 : vector<128x1xf32>
    %sub3A_211 = arith.subf %sub3A_209, %round3A_210 : vector<128x1xf32>
    %convert_element_type3A_212 = arith.truncf %sub3A_211 : vector<128x1xf32> to vector<128x1xbf16>
    %convert_element_type3A_213 = arith.extf %convert_element_type3A_212 : vector<128x1xbf16> to vector<128x1xf32>
    %mul3A_214 = vector.broadcast %convert_element_type3A_3 : f32 to vector<128x1xf32>
    %mul3A_215 = arith.mulf %convert_element_type3A_213, %mul3A_214 : vector<128x1xf32>
    %slice3A_216 = vector.extract_strided_slice %dot_general3A_199 {offsets = [0, 2], sizes = [128, 1], strides = [1, 1]} : vector<128x8xf32> to vector<128x1xf32>
    %sub3A_217 = arith.subf %slice3A_216, %get3A_28 : vector<128x1xf32>
    %round3A_218 = math.roundeven %sub3A_217 : vector<128x1xf32>
    %sub3A_219 = arith.subf %sub3A_217, %round3A_218 : vector<128x1xf32>
    %convert_element_type3A_220 = arith.truncf %sub3A_219 : vector<128x1xf32> to vector<128x1xbf16>
    %convert_element_type3A_221 = arith.extf %convert_element_type3A_220 : vector<128x1xbf16> to vector<128x1xf32>
    %mul3A_222 = vector.broadcast %convert_element_type3A_3 : f32 to vector<128x1xf32>
    %mul3A_223 = arith.mulf %convert_element_type3A_221, %mul3A_222 : vector<128x1xf32>
    %mul3A_224 = arith.mulf %mul3A_207, %mul3A_207 : vector<128x1xf32>
    %mul3A_225 = arith.mulf %mul3A_215, %mul3A_215 : vector<128x1xf32>
    %add3A_226 = arith.addf %mul3A_224, %mul3A_225 : vector<128x1xf32>
    %mul3A_227 = arith.mulf %mul3A_223, %mul3A_223 : vector<128x1xf32>
    %add3A_228 = arith.addf %add3A_226, %mul3A_227 : vector<128x1xf32>
    %sqrt3A_229 = math.sqrt %add3A_228 : vector<128x1xf32>
    %add3A_230 = arith.constant 9.99999996E-13 : f32
    %add3A_231 = vector.broadcast %add3A_230 : f32 to vector<128x1xf32>
    %add3A_232 = arith.addf %sqrt3A_229, %add3A_231 : vector<128x1xf32>
    %div3A_233 = arith.divf %mul3A_207, %add3A_232 : vector<128x1xf32>
    %convert_element_type3A_234 = arith.truncf %div3A_233 : vector<128x1xf32> to vector<128x1xbf16>
    %convert_element_type3A_235 = arith.extf %convert_element_type3A_234 : vector<128x1xbf16> to vector<128x1xf32>
    %div3A_236 = arith.divf %mul3A_215, %add3A_232 : vector<128x1xf32>
    %convert_element_type3A_237 = arith.truncf %div3A_236 : vector<128x1xf32> to vector<128x1xbf16>
    %convert_element_type3A_238 = arith.extf %convert_element_type3A_237 : vector<128x1xbf16> to vector<128x1xf32>
    %div3A_239 = arith.divf %mul3A_223, %add3A_232 : vector<128x1xf32>
    %convert_element_type3A_240 = arith.truncf %div3A_239 : vector<128x1xf32> to vector<128x1xbf16>
    %convert_element_type3A_241 = arith.extf %convert_element_type3A_240 : vector<128x1xbf16> to vector<128x1xf32>
    %jit3A_242 = arith.constant 1.000000e+09 : f32
    %broadcast_in_dim3A_243 = vector.broadcast %jit3A_242 : f32 to vector<128x4096xf32>
    %select_n3A_244 = arith.select %eq3A_192, %broadcast_in_dim3A_243, %select_n3A_179 : vector<128x4096xi1>, vector<128x4096xf32>
    %reduce_min3A_245 = arith.constant dense<0x7F800000> : vector<128xf32>
    %reduce_min3A_246 = vector.multi_reduction <minimumf>, %select_n3A_244, %reduce_min3A_245 [1] : vector<128x4096xf32> to vector<128xf32>
    %broadcast_in_dim3A_247 = vector.shape_cast %reduce_min3A_246 : vector<128xf32> to vector<128x1xf32>
    %eq3A_248 = vector.broadcast %broadcast_in_dim3A_247 : vector<128x1xf32> to vector<128x4096xf32>
    %eq3A_249 = arith.cmpf oeq, %select_n3A_244, %eq3A_248 : vector<128x4096xf32>
    %jit3A_250 = arith.constant 4096 : i32
    %broadcast_in_dim3A_251 = vector.broadcast %jit3A_250 : i32 to vector<128x4096xi32>
    %select_n3A_252 = arith.select %eq3A_249, %iota3A_85, %broadcast_in_dim3A_251 : vector<128x4096xi1>, vector<128x4096xi32>
    %reduce_min3A_253 = arith.constant dense<2147483647> : vector<128xi32>
    %reduce_min3A_254 = vector.multi_reduction <minsi>, %select_n3A_252, %reduce_min3A_253 [1] : vector<128x4096xi32> to vector<128xi32>
    %broadcast_in_dim3A_255 = vector.shape_cast %reduce_min3A_254 : vector<128xi32> to vector<128x1xi32>
    %eq3A_256 = vector.broadcast %broadcast_in_dim3A_255 : vector<128x1xi32> to vector<128x4096xi32>
    %eq3A_257 = arith.cmpi eq, %iota3A_85, %eq3A_256 : vector<128x4096xi32>
    %convert_element_type3A_258 = arith.extui %eq3A_257 : vector<128x4096xi1> to vector<128x4096xi32>
    %convert_element_type3A_259 = arith.sitofp %convert_element_type3A_258 : vector<128x4096xi32> to vector<128x4096xf32>
    %get3A_260 = arith.constant 0 : index
    %get3A_261 = arith.constant 0 : index
    %get3A_262 = vector.load %arg3[%get3A_260, %get3A_261] : memref<4096x8xf32, #tpu.memory_space<vmem>>, vector<4096x8xf32>
    %dot_general3A_263 = arith.constant dense<0.000000e+00> : vector<128x8xf32>
    %dot_general3A_264 = tpu.matmul %convert_element_type3A_259, %get3A_262, %dot_general3A_263 {dimension_numbers = #tpu.dot_dimension_numbers<[1], [0], [0], [1], [0, 0, 1, 1], [], []>, precision = #tpu.contract_precision<fp32>, transpose_lhs_hint = false} : vector<128x4096xf32>, vector<4096x8xf32>, vector<128x8xf32> -> vector<128x8xf32>
    %slice3A_265 = vector.extract_strided_slice %dot_general3A_264 {offsets = [0, 0], sizes = [128, 1], strides = [1, 1]} : vector<128x8xf32> to vector<128x1xf32>
    %sub3A_266 = arith.subf %slice3A_265, %get3A_22 : vector<128x1xf32>
    %round3A_267 = math.roundeven %sub3A_266 : vector<128x1xf32>
    %sub3A_268 = arith.subf %sub3A_266, %round3A_267 : vector<128x1xf32>
    %convert_element_type3A_269 = arith.truncf %sub3A_268 : vector<128x1xf32> to vector<128x1xbf16>
    %convert_element_type3A_270 = arith.extf %convert_element_type3A_269 : vector<128x1xbf16> to vector<128x1xf32>
    %mul3A_271 = vector.broadcast %convert_element_type3A_3 : f32 to vector<128x1xf32>
    %mul3A_272 = arith.mulf %convert_element_type3A_270, %mul3A_271 : vector<128x1xf32>
    %slice3A_273 = vector.extract_strided_slice %dot_general3A_264 {offsets = [0, 1], sizes = [128, 1], strides = [1, 1]} : vector<128x8xf32> to vector<128x1xf32>
    %sub3A_274 = arith.subf %slice3A_273, %get3A_25 : vector<128x1xf32>
    %round3A_275 = math.roundeven %sub3A_274 : vector<128x1xf32>
    %sub3A_276 = arith.subf %sub3A_274, %round3A_275 : vector<128x1xf32>
    %convert_element_type3A_277 = arith.truncf %sub3A_276 : vector<128x1xf32> to vector<128x1xbf16>
    %convert_element_type3A_278 = arith.extf %convert_element_type3A_277 : vector<128x1xbf16> to vector<128x1xf32>
    %mul3A_279 = vector.broadcast %convert_element_type3A_3 : f32 to vector<128x1xf32>
    %mul3A_280 = arith.mulf %convert_element_type3A_278, %mul3A_279 : vector<128x1xf32>
    %slice3A_281 = vector.extract_strided_slice %dot_general3A_264 {offsets = [0, 2], sizes = [128, 1], strides = [1, 1]} : vector<128x8xf32> to vector<128x1xf32>
    %sub3A_282 = arith.subf %slice3A_281, %get3A_28 : vector<128x1xf32>
    %round3A_283 = math.roundeven %sub3A_282 : vector<128x1xf32>
    %sub3A_284 = arith.subf %sub3A_282, %round3A_283 : vector<128x1xf32>
    %convert_element_type3A_285 = arith.truncf %sub3A_284 : vector<128x1xf32> to vector<128x1xbf16>
    %convert_element_type3A_286 = arith.extf %convert_element_type3A_285 : vector<128x1xbf16> to vector<128x1xf32>
    %mul3A_287 = vector.broadcast %convert_element_type3A_3 : f32 to vector<128x1xf32>
    %mul3A_288 = arith.mulf %convert_element_type3A_286, %mul3A_287 : vector<128x1xf32>
    %mul3A_289 = arith.mulf %mul3A_272, %mul3A_272 : vector<128x1xf32>
    %mul3A_290 = arith.mulf %mul3A_280, %mul3A_280 : vector<128x1xf32>
    %add3A_291 = arith.addf %mul3A_289, %mul3A_290 : vector<128x1xf32>
    %mul3A_292 = arith.mulf %mul3A_288, %mul3A_288 : vector<128x1xf32>
    %add3A_293 = arith.addf %add3A_291, %mul3A_292 : vector<128x1xf32>
    %sqrt3A_294 = math.sqrt %add3A_293 : vector<128x1xf32>
    %add3A_295 = arith.constant 9.99999996E-13 : f32
    %add3A_296 = vector.broadcast %add3A_295 : f32 to vector<128x1xf32>
    %add3A_297 = arith.addf %sqrt3A_294, %add3A_296 : vector<128x1xf32>
    %div3A_298 = arith.divf %mul3A_272, %add3A_297 : vector<128x1xf32>
    %convert_element_type3A_299 = arith.truncf %div3A_298 : vector<128x1xf32> to vector<128x1xbf16>
    %convert_element_type3A_300 = arith.extf %convert_element_type3A_299 : vector<128x1xbf16> to vector<128x1xf32>
    %div3A_301 = arith.divf %mul3A_280, %add3A_297 : vector<128x1xf32>
    %convert_element_type3A_302 = arith.truncf %div3A_301 : vector<128x1xf32> to vector<128x1xbf16>
    %convert_element_type3A_303 = arith.extf %convert_element_type3A_302 : vector<128x1xbf16> to vector<128x1xf32>
    %div3A_304 = arith.divf %mul3A_288, %add3A_297 : vector<128x1xf32>
    %convert_element_type3A_305 = arith.truncf %div3A_304 : vector<128x1xf32> to vector<128x1xbf16>
    %convert_element_type3A_306 = arith.extf %convert_element_type3A_305 : vector<128x1xbf16> to vector<128x1xf32>
    %jit3A_307 = arith.constant 1.000000e+09 : f32
    %broadcast_in_dim3A_308 = vector.broadcast %jit3A_307 : f32 to vector<128x4096xf32>
    %select_n3A_309 = arith.select %eq3A_257, %broadcast_in_dim3A_308, %select_n3A_244 : vector<128x4096xi1>, vector<128x4096xf32>
    %reduce_min3A_310 = arith.constant dense<0x7F800000> : vector<128xf32>
    %reduce_min3A_311 = vector.multi_reduction <minimumf>, %select_n3A_309, %reduce_min3A_310 [1] : vector<128x4096xf32> to vector<128xf32>
    %broadcast_in_dim3A_312 = vector.shape_cast %reduce_min3A_311 : vector<128xf32> to vector<128x1xf32>
    %eq3A_313 = vector.broadcast %broadcast_in_dim3A_312 : vector<128x1xf32> to vector<128x4096xf32>
    %eq3A_314 = arith.cmpf oeq, %select_n3A_309, %eq3A_313 : vector<128x4096xf32>
    %jit3A_315 = arith.constant 4096 : i32
    %broadcast_in_dim3A_316 = vector.broadcast %jit3A_315 : i32 to vector<128x4096xi32>
    %select_n3A_317 = arith.select %eq3A_314, %iota3A_85, %broadcast_in_dim3A_316 : vector<128x4096xi1>, vector<128x4096xi32>
    %reduce_min3A_318 = arith.constant dense<2147483647> : vector<128xi32>
    %reduce_min3A_319 = vector.multi_reduction <minsi>, %select_n3A_317, %reduce_min3A_318 [1] : vector<128x4096xi32> to vector<128xi32>
    %broadcast_in_dim3A_320 = vector.shape_cast %reduce_min3A_319 : vector<128xi32> to vector<128x1xi32>
    %eq3A_321 = vector.broadcast %broadcast_in_dim3A_320 : vector<128x1xi32> to vector<128x4096xi32>
    %eq3A_322 = arith.cmpi eq, %iota3A_85, %eq3A_321 : vector<128x4096xi32>
    %convert_element_type3A_323 = arith.extui %eq3A_322 : vector<128x4096xi1> to vector<128x4096xi32>
    %convert_element_type3A_324 = arith.sitofp %convert_element_type3A_323 : vector<128x4096xi32> to vector<128x4096xf32>
    %get3A_325 = arith.constant 0 : index
    %get3A_326 = arith.constant 0 : index
    %get3A_327 = vector.load %arg3[%get3A_325, %get3A_326] : memref<4096x8xf32, #tpu.memory_space<vmem>>, vector<4096x8xf32>
    %dot_general3A_328 = arith.constant dense<0.000000e+00> : vector<128x8xf32>
    %dot_general3A_329 = tpu.matmul %convert_element_type3A_324, %get3A_327, %dot_general3A_328 {dimension_numbers = #tpu.dot_dimension_numbers<[1], [0], [0], [1], [0, 0, 1, 1], [], []>, precision = #tpu.contract_precision<fp32>, transpose_lhs_hint = false} : vector<128x4096xf32>, vector<4096x8xf32>, vector<128x8xf32> -> vector<128x8xf32>
    %slice3A_330 = vector.extract_strided_slice %dot_general3A_329 {offsets = [0, 0], sizes = [128, 1], strides = [1, 1]} : vector<128x8xf32> to vector<128x1xf32>
    %sub3A_331 = arith.subf %slice3A_330, %get3A_22 : vector<128x1xf32>
    %round3A_332 = math.roundeven %sub3A_331 : vector<128x1xf32>
    %sub3A_333 = arith.subf %sub3A_331, %round3A_332 : vector<128x1xf32>
    %convert_element_type3A_334 = arith.truncf %sub3A_333 : vector<128x1xf32> to vector<128x1xbf16>
    %convert_element_type3A_335 = arith.extf %convert_element_type3A_334 : vector<128x1xbf16> to vector<128x1xf32>
    %mul3A_336 = vector.broadcast %convert_element_type3A_3 : f32 to vector<128x1xf32>
    %mul3A_337 = arith.mulf %convert_element_type3A_335, %mul3A_336 : vector<128x1xf32>
    %slice3A_338 = vector.extract_strided_slice %dot_general3A_329 {offsets = [0, 1], sizes = [128, 1], strides = [1, 1]} : vector<128x8xf32> to vector<128x1xf32>
    %sub3A_339 = arith.subf %slice3A_338, %get3A_25 : vector<128x1xf32>
    %round3A_340 = math.roundeven %sub3A_339 : vector<128x1xf32>
    %sub3A_341 = arith.subf %sub3A_339, %round3A_340 : vector<128x1xf32>
    %convert_element_type3A_342 = arith.truncf %sub3A_341 : vector<128x1xf32> to vector<128x1xbf16>
    %convert_element_type3A_343 = arith.extf %convert_element_type3A_342 : vector<128x1xbf16> to vector<128x1xf32>
    %mul3A_344 = vector.broadcast %convert_element_type3A_3 : f32 to vector<128x1xf32>
    %mul3A_345 = arith.mulf %convert_element_type3A_343, %mul3A_344 : vector<128x1xf32>
    %slice3A_346 = vector.extract_strided_slice %dot_general3A_329 {offsets = [0, 2], sizes = [128, 1], strides = [1, 1]} : vector<128x8xf32> to vector<128x1xf32>
    %sub3A_347 = arith.subf %slice3A_346, %get3A_28 : vector<128x1xf32>
    %round3A_348 = math.roundeven %sub3A_347 : vector<128x1xf32>
    %sub3A_349 = arith.subf %sub3A_347, %round3A_348 : vector<128x1xf32>
    %convert_element_type3A_350 = arith.truncf %sub3A_349 : vector<128x1xf32> to vector<128x1xbf16>
    %convert_element_type3A_351 = arith.extf %convert_element_type3A_350 : vector<128x1xbf16> to vector<128x1xf32>
    %mul3A_352 = vector.broadcast %convert_element_type3A_3 : f32 to vector<128x1xf32>
    %mul3A_353 = arith.mulf %convert_element_type3A_351, %mul3A_352 : vector<128x1xf32>
    %mul3A_354 = arith.mulf %mul3A_337, %mul3A_337 : vector<128x1xf32>
    %mul3A_355 = arith.mulf %mul3A_345, %mul3A_345 : vector<128x1xf32>
    %add3A_356 = arith.addf %mul3A_354, %mul3A_355 : vector<128x1xf32>
    %mul3A_357 = arith.mulf %mul3A_353, %mul3A_353 : vector<128x1xf32>
    %add3A_358 = arith.addf %add3A_356, %mul3A_357 : vector<128x1xf32>
    %sqrt3A_359 = math.sqrt %add3A_358 : vector<128x1xf32>
    %add3A_360 = arith.constant 9.99999996E-13 : f32
    %add3A_361 = vector.broadcast %add3A_360 : f32 to vector<128x1xf32>
    %add3A_362 = arith.addf %sqrt3A_359, %add3A_361 : vector<128x1xf32>
    %div3A_363 = arith.divf %mul3A_337, %add3A_362 : vector<128x1xf32>
    %convert_element_type3A_364 = arith.truncf %div3A_363 : vector<128x1xf32> to vector<128x1xbf16>
    %convert_element_type3A_365 = arith.extf %convert_element_type3A_364 : vector<128x1xbf16> to vector<128x1xf32>
    %div3A_366 = arith.divf %mul3A_345, %add3A_362 : vector<128x1xf32>
    %convert_element_type3A_367 = arith.truncf %div3A_366 : vector<128x1xf32> to vector<128x1xbf16>
    %convert_element_type3A_368 = arith.extf %convert_element_type3A_367 : vector<128x1xbf16> to vector<128x1xf32>
    %div3A_369 = arith.divf %mul3A_353, %add3A_362 : vector<128x1xf32>
    %convert_element_type3A_370 = arith.truncf %div3A_369 : vector<128x1xf32> to vector<128x1xbf16>
    %convert_element_type3A_371 = arith.extf %convert_element_type3A_370 : vector<128x1xbf16> to vector<128x1xf32>
    %broadcast_in_dim3A_372 = arith.constant 0.000000e+00 : f32
    %broadcast_in_dim3A_373 = vector.broadcast %broadcast_in_dim3A_372 : f32 to vector<128x1xf32>
    %mul3A_374 = arith.mulf %convert_element_type3A_170, %convert_element_type3A_235 : vector<128x1xf32>
    %mul3A_375 = arith.mulf %convert_element_type3A_173, %convert_element_type3A_238 : vector<128x1xf32>
    %add3A_376 = arith.addf %mul3A_374, %mul3A_375 : vector<128x1xf32>
    %mul3A_377 = arith.mulf %convert_element_type3A_176, %convert_element_type3A_241 : vector<128x1xf32>
    %add3A_378 = arith.addf %add3A_376, %mul3A_377 : vector<128x1xf32>
    %add3A_379 = arith.constant 0.333333343 : f32
    %add3A_380 = vector.broadcast %add3A_379 : f32 to vector<128x1xf32>
    %add3A_381 = arith.addf %add3A_378, %add3A_380 : vector<128x1xf32>
    %integer_pow3A = arith.mulf %add3A_381, %add3A_381 : vector<128x1xf32>
    %add3A_382 = arith.addf %broadcast_in_dim3A_373, %integer_pow3A : vector<128x1xf32>
    %mul3A_383 = arith.mulf %convert_element_type3A_170, %convert_element_type3A_300 : vector<128x1xf32>
    %mul3A_384 = arith.mulf %convert_element_type3A_173, %convert_element_type3A_303 : vector<128x1xf32>
    %add3A_385 = arith.addf %mul3A_383, %mul3A_384 : vector<128x1xf32>
    %mul3A_386 = arith.mulf %convert_element_type3A_176, %convert_element_type3A_306 : vector<128x1xf32>
    %add3A_387 = arith.addf %add3A_385, %mul3A_386 : vector<128x1xf32>
    %add3A_388 = arith.constant 0.333333343 : f32
    %add3A_389 = vector.broadcast %add3A_388 : f32 to vector<128x1xf32>
    %add3A_390 = arith.addf %add3A_387, %add3A_389 : vector<128x1xf32>
    %integer_pow3A_391 = arith.mulf %add3A_390, %add3A_390 : vector<128x1xf32>
    %add3A_392 = arith.addf %add3A_382, %integer_pow3A_391 : vector<128x1xf32>
    %mul3A_393 = arith.mulf %convert_element_type3A_170, %convert_element_type3A_365 : vector<128x1xf32>
    %mul3A_394 = arith.mulf %convert_element_type3A_173, %convert_element_type3A_368 : vector<128x1xf32>
    %add3A_395 = arith.addf %mul3A_393, %mul3A_394 : vector<128x1xf32>
    %mul3A_396 = arith.mulf %convert_element_type3A_176, %convert_element_type3A_371 : vector<128x1xf32>
    %add3A_397 = arith.addf %add3A_395, %mul3A_396 : vector<128x1xf32>
    %add3A_398 = arith.constant 0.333333343 : f32
    %add3A_399 = vector.broadcast %add3A_398 : f32 to vector<128x1xf32>
    %add3A_400 = arith.addf %add3A_397, %add3A_399 : vector<128x1xf32>
    %integer_pow3A_401 = arith.mulf %add3A_400, %add3A_400 : vector<128x1xf32>
    %add3A_402 = arith.addf %add3A_392, %integer_pow3A_401 : vector<128x1xf32>
    %mul3A_403 = arith.mulf %convert_element_type3A_235, %convert_element_type3A_300 : vector<128x1xf32>
    %mul3A_404 = arith.mulf %convert_element_type3A_238, %convert_element_type3A_303 : vector<128x1xf32>
    %add3A_405 = arith.addf %mul3A_403, %mul3A_404 : vector<128x1xf32>
    %mul3A_406 = arith.mulf %convert_element_type3A_241, %convert_element_type3A_306 : vector<128x1xf32>
    %add3A_407 = arith.addf %add3A_405, %mul3A_406 : vector<128x1xf32>
    %add3A_408 = arith.constant 0.333333343 : f32
    %add3A_409 = vector.broadcast %add3A_408 : f32 to vector<128x1xf32>
    %add3A_410 = arith.addf %add3A_407, %add3A_409 : vector<128x1xf32>
    %integer_pow3A_411 = arith.mulf %add3A_410, %add3A_410 : vector<128x1xf32>
    %add3A_412 = arith.addf %add3A_402, %integer_pow3A_411 : vector<128x1xf32>
    %mul3A_413 = arith.mulf %convert_element_type3A_235, %convert_element_type3A_365 : vector<128x1xf32>
    %mul3A_414 = arith.mulf %convert_element_type3A_238, %convert_element_type3A_368 : vector<128x1xf32>
    %add3A_415 = arith.addf %mul3A_413, %mul3A_414 : vector<128x1xf32>
    %mul3A_416 = arith.mulf %convert_element_type3A_241, %convert_element_type3A_371 : vector<128x1xf32>
    %add3A_417 = arith.addf %add3A_415, %mul3A_416 : vector<128x1xf32>
    %add3A_418 = arith.constant 0.333333343 : f32
    %add3A_419 = vector.broadcast %add3A_418 : f32 to vector<128x1xf32>
    %add3A_420 = arith.addf %add3A_417, %add3A_419 : vector<128x1xf32>
    %integer_pow3A_421 = arith.mulf %add3A_420, %add3A_420 : vector<128x1xf32>
    %add3A_422 = arith.addf %add3A_412, %integer_pow3A_421 : vector<128x1xf32>
    %mul3A_423 = arith.mulf %convert_element_type3A_300, %convert_element_type3A_365 : vector<128x1xf32>
    %mul3A_424 = arith.mulf %convert_element_type3A_303, %convert_element_type3A_368 : vector<128x1xf32>
    %add3A_425 = arith.addf %mul3A_423, %mul3A_424 : vector<128x1xf32>
    %mul3A_426 = arith.mulf %convert_element_type3A_306, %convert_element_type3A_371 : vector<128x1xf32>
    %add3A_427 = arith.addf %add3A_425, %mul3A_426 : vector<128x1xf32>
    %add3A_428 = arith.constant 0.333333343 : f32
    %add3A_429 = vector.broadcast %add3A_428 : f32 to vector<128x1xf32>
    %add3A_430 = arith.addf %add3A_427, %add3A_429 : vector<128x1xf32>
    %integer_pow3A_431 = arith.mulf %add3A_430, %add3A_430 : vector<128x1xf32>
    %add3A_432 = arith.addf %add3A_422, %integer_pow3A_431 : vector<128x1xf32>
    %mul3A_433 = arith.constant 3.750000e-01 : f32
    %mul3A_434 = vector.broadcast %mul3A_433 : f32 to vector<128x1xf32>
    %mul3A_435 = arith.mulf %mul3A_434, %add3A_432 : vector<128x1xf32>
    %sub3A_436 = arith.constant 1.000000e+00 : f32
    %sub3A_437 = vector.broadcast %sub3A_436 : f32 to vector<128x1xf32>
    %sub3A_438 = arith.subf %sub3A_437, %mul3A_435 : vector<128x1xf32>
    %lt3A_439 = arith.constant 5.000000e-01 : f32
    %lt3A_440 = vector.broadcast %lt3A_439 : f32 to vector<128x1xf32>
    %lt3A_441 = arith.cmpf olt, %get3A_31, %lt3A_440 : vector<128x1xf32>
    %lt3A_442 = vector.broadcast %get3A_19 : f32 to vector<128x1xf32>
    %lt3A_443 = arith.cmpf olt, %broadcast_in_dim3A_312, %lt3A_442 : vector<128x1xf32>
    %and3A_444 = arith.andi %lt3A_441, %lt3A_443 : vector<128x1xi1>
    %jit3A_445 = arith.constant 0.000000e+00 : f32
    %broadcast_in_dim3A_446 = vector.broadcast %jit3A_445 : f32 to vector<128x1xf32>
    %select_n3A_447 = arith.select %and3A_444, %sub3A_438, %broadcast_in_dim3A_446 : vector<128x1xi1>, vector<128x1xf32>
    %jit3A_448 = arith.constant 1.000000e+00 : f32
    %jit3A_449 = arith.constant 0.000000e+00 : f32
    %broadcast_in_dim3A_450 = vector.broadcast %jit3A_448 : f32 to vector<128x1xf32>
    %broadcast_in_dim3A_451 = vector.broadcast %jit3A_449 : f32 to vector<128x1xf32>
    %select_n3A_452 = arith.select %and3A_444, %broadcast_in_dim3A_450, %broadcast_in_dim3A_451 : vector<128x1xi1>, vector<128x1xf32>
    %broadcast_in_dim3A_453 = arith.constant 0.000000e+00 : f32
    %broadcast_in_dim3A_454 = vector.broadcast %broadcast_in_dim3A_453 : f32 to vector<128x6xf32>
    %concatenate3A = tpu.concatenate %select_n3A_447, %select_n3A_452, %broadcast_in_dim3A_454 in 1 : vector<128x1xf32>, vector<128x1xf32>, vector<128x6xf32> -> vector<128x8xf32>
    %swap3A_455 = arith.constant 0 : index
    %swap3A_456 = arith.constant 0 : index
    %swap3A_457 = vector.load %arg6[%swap3A_455, %swap3A_456] : memref<128x8xf32, #tpu.memory_space<vmem>>, vector<128x8xf32>
    tpu.vector_store %arg6[%swap3A_455, %swap3A_456], %concatenate3A {strides = array<i32>} : memref<128x8xf32, #tpu.memory_space<vmem>>, vector<128x8xf32>,
    return
  }
  func.func @transform_0(%arg0: i32) -> (i32, i32) {
    %c0_i32 = arith.constant 0 : i32
    %c0_i32_0 = arith.constant 0 : i32
    return %arg0, %c0_i32 : i32, i32
  }
  func.func @transform_1(%arg0: i32) -> (i32, i32) {
    %c0_i32 = arith.constant 0 : i32
    %c0_i32_0 = arith.constant 0 : i32
    %c0_i32_1 = arith.constant 0 : i32
    return %c0_i32, %c0_i32_0 : i32, i32
  }
  func.func @transform_2(%arg0: i32) -> (i32, i32) {
    %c0_i32 = arith.constant 0 : i32
    %c0_i32_0 = arith.constant 0 : i32
    %c0_i32_1 = arith.constant 0 : i32
    return %c0_i32, %c0_i32_0 : i32, i32
  }
  func.func @transform_3(%arg0: i32) -> (i32, i32) {
    %c0_i32 = arith.constant 0 : i32
    %c0_i32_0 = arith.constant 0 : i32
    %c0_i32_1 = arith.constant 0 : i32
    return %c0_i32, %c0_i32_0 : i32, i32
  }
  func.func @transform_4(%arg0: i32) -> (i32, i32) {
    %c0_i32 = arith.constant 0 : i32
    %c0_i32_0 = arith.constant 0 : i32
    return %arg0, %c0_i32 : i32, i32
  }
  func.func @transform_5(%arg0: i32) -> (i32, i32) {
    %c0_i32 = arith.constant 0 : i32
    %c0_i32_0 = arith.constant 0 : i32
    return %arg0, %c0_i32 : i32, i32
  }
}

module attributes {stable_mosaic.version = 14 : i64} {
  func.func @_final_kernel(%arg0: memref<512x1552xi32, #tpu.memory_space<vmem>>, %arg1: memref<512x1552xi32, #tpu.memory_space<vmem>>, %arg2: memref<512x1552xi32, #tpu.memory_space<vmem>>, %arg3: memref<512x1552xi32, #tpu.memory_space<vmem>>, %arg4: memref<1x512xf32, #tpu.memory_space<vmem>>, %arg5: memref<400x1xf32, #tpu.memory_space<vmem>>, %arg6: memref<1024x8xf32, #tpu.memory_space<vmem>>, %arg7: memref<1024x8xf32, #tpu.memory_space<vmem>>, %arg8: memref<1024x8xf32, #tpu.memory_space<vmem>>, %arg9: memref<1024x8xf32, #tpu.memory_space<vmem>>, %arg10: memref<8x512xi32, #tpu.memory_space<vmem>>, %arg11: memref<3x3xf32, #tpu.memory_space<vmem>>, %arg12: memref<1x8xf32, #tpu.memory_space<vmem>>, %arg13: memref<1x512xf32, #tpu.memory_space<vmem>>, %arg14: memref<1x512xf32, #tpu.memory_space<vmem>>, %arg15: memref<400x1xf32, #tpu.memory_space<vmem>>, %arg16: memref<1x1xf32, #tpu.memory_space<vmem>>) attributes {dimension_semantics = [], scalar_prefetch = 0 : i64, scratch_operands = 0 : i64, tpu.core_type = #tpu.core_type<tc>} {
    %get3A = arith.constant 0 : index
    %get3A_0 = arith.constant 0 : index
    %get3A_1 = vector.load %arg12[%get3A, %get3A_0] : memref<1x8xf32, #tpu.memory_space<vmem>>, vector<1x1xf32>
    %get3A_2 = vector.extract %get3A_1[0, 0] : f32 from vector<1x1xf32>
    %get3A_3 = arith.constant 0 : index
    %get3A_4 = arith.constant 1 : index
    %get3A_5 = vector.load %arg12[%get3A_3, %get3A_4] : memref<1x8xf32, #tpu.memory_space<vmem>>, vector<1x1xf32>
    %get3A_6 = vector.extract %get3A_5[0, 0] : f32 from vector<1x1xf32>
    %get3A_7 = arith.constant 0 : index
    %get3A_8 = arith.constant 2 : index
    %get3A_9 = vector.load %arg12[%get3A_7, %get3A_8] : memref<1x8xf32, #tpu.memory_space<vmem>>, vector<1x1xf32>
    %get3A_10 = vector.extract %get3A_9[0, 0] : f32 from vector<1x1xf32>
    %get3A_11 = arith.constant 0 : index
    %get3A_12 = arith.constant 0 : index
    %get3A_13 = vector.load %arg11[%get3A_11, %get3A_12] : memref<3x3xf32, #tpu.memory_space<vmem>>, vector<1x1xf32>
    %get3A_14 = vector.extract %get3A_13[0, 0] : f32 from vector<1x1xf32>
    %get3A_15 = arith.constant 0 : index
    %get3A_16 = arith.constant 1 : index
    %get3A_17 = vector.load %arg11[%get3A_15, %get3A_16] : memref<3x3xf32, #tpu.memory_space<vmem>>, vector<1x1xf32>
    %get3A_18 = vector.extract %get3A_17[0, 0] : f32 from vector<1x1xf32>
    %get3A_19 = arith.constant 0 : index
    %get3A_20 = arith.constant 2 : index
    %get3A_21 = vector.load %arg11[%get3A_19, %get3A_20] : memref<3x3xf32, #tpu.memory_space<vmem>>, vector<1x1xf32>
    %get3A_22 = vector.extract %get3A_21[0, 0] : f32 from vector<1x1xf32>
    %get3A_23 = arith.constant 1 : index
    %get3A_24 = arith.constant 0 : index
    %get3A_25 = vector.load %arg11[%get3A_23, %get3A_24] : memref<3x3xf32, #tpu.memory_space<vmem>>, vector<1x1xf32>
    %get3A_26 = vector.extract %get3A_25[0, 0] : f32 from vector<1x1xf32>
    %get3A_27 = arith.constant 1 : index
    %get3A_28 = arith.constant 1 : index
    %get3A_29 = vector.load %arg11[%get3A_27, %get3A_28] : memref<3x3xf32, #tpu.memory_space<vmem>>, vector<1x1xf32>
    %get3A_30 = vector.extract %get3A_29[0, 0] : f32 from vector<1x1xf32>
    %get3A_31 = arith.constant 1 : index
    %get3A_32 = arith.constant 2 : index
    %get3A_33 = vector.load %arg11[%get3A_31, %get3A_32] : memref<3x3xf32, #tpu.memory_space<vmem>>, vector<1x1xf32>
    %get3A_34 = vector.extract %get3A_33[0, 0] : f32 from vector<1x1xf32>
    %get3A_35 = arith.constant 2 : index
    %get3A_36 = arith.constant 0 : index
    %get3A_37 = vector.load %arg11[%get3A_35, %get3A_36] : memref<3x3xf32, #tpu.memory_space<vmem>>, vector<1x1xf32>
    %get3A_38 = vector.extract %get3A_37[0, 0] : f32 from vector<1x1xf32>
    %get3A_39 = arith.constant 2 : index
    %get3A_40 = arith.constant 1 : index
    %get3A_41 = vector.load %arg11[%get3A_39, %get3A_40] : memref<3x3xf32, #tpu.memory_space<vmem>>, vector<1x1xf32>
    %get3A_42 = vector.extract %get3A_41[0, 0] : f32 from vector<1x1xf32>
    %get3A_43 = arith.constant 2 : index
    %get3A_44 = arith.constant 2 : index
    %get3A_45 = vector.load %arg11[%get3A_43, %get3A_44] : memref<3x3xf32, #tpu.memory_space<vmem>>, vector<1x1xf32>
    %get3A_46 = vector.extract %get3A_45[0, 0] : f32 from vector<1x1xf32>
    %mul3A = arith.mulf %get3A_30, %get3A_46 : f32
    %mul3A_47 = arith.mulf %get3A_34, %get3A_42 : f32
    %sub3A = arith.subf %mul3A, %mul3A_47 : f32
    %mul3A_48 = arith.mulf %get3A_14, %sub3A : f32
    %mul3A_49 = arith.mulf %get3A_26, %get3A_46 : f32
    %mul3A_50 = arith.mulf %get3A_34, %get3A_38 : f32
    %sub3A_51 = arith.subf %mul3A_49, %mul3A_50 : f32
    %mul3A_52 = arith.mulf %get3A_18, %sub3A_51 : f32
    %sub3A_53 = arith.subf %mul3A_48, %mul3A_52 : f32
    %mul3A_54 = arith.mulf %get3A_26, %get3A_42 : f32
    %mul3A_55 = arith.mulf %get3A_30, %get3A_38 : f32
    %sub3A_56 = arith.subf %mul3A_54, %mul3A_55 : f32
    %mul3A_57 = arith.mulf %get3A_22, %sub3A_56 : f32
    %add3A = arith.addf %sub3A_53, %mul3A_57 : f32
    %abs3A = math.absf %add3A : f32
    %div3A = arith.constant 4.096000e+03 : f32
    %div3A_58 = arith.divf %div3A, %abs3A : f32
    %get3A_59 = arith.constant 0 : index
    %get3A_60 = arith.constant 0 : index
    %get3A_61 = vector.load %arg10[%get3A_59, %get3A_60] : memref<8x512xi32, #tpu.memory_space<vmem>>, vector<8x512xi32>
    %reduce_sum3A = vector.shape_cast %get3A_61 : vector<8x512xi32> to vector<1x8x512xi32>
    %reduce_sum3A_62 = arith.constant dense<0> : vector<1xi32>
    %reduce_sum3A_63 = vector.multi_reduction <add>, %reduce_sum3A, %reduce_sum3A_62 [1, 2] : vector<1x8x512xi32> to vector<1xi32>
    %reduce_sum3A_64 = vector.shape_cast %reduce_sum3A_63 : vector<1xi32> to vector<1x1x1xi32>
    %reduce_sum3A_65 = vector.extract %reduce_sum3A_64[0, 0, 0] : i32 from vector<1x1x1xi32>
    %convert_element_type3A = arith.sitofp %reduce_sum3A_65 : i32 to f32
    %sub3A_66 = arith.constant 4.096000e+03 : f32
    %sub3A_67 = arith.subf %sub3A_66, %convert_element_type3A : f32
    %mul3A_68 = arith.mulf %get3A_2, %sub3A_67 : f32
    %mul3A_69 = arith.mulf %get3A_6, %convert_element_type3A : f32
    %add3A_70 = arith.addf %mul3A_68, %mul3A_69 : f32
    %div3A_71 = arith.constant 4.096000e+03 : f32
    %div3A_72 = arith.divf %add3A_70, %div3A_71 : f32
    %mul3A_73 = arith.mulf %div3A_72, %div3A_72 : f32
    %get3A_74 = arith.constant 0 : index
    %get3A_75 = arith.constant 0 : index
    %get3A_76 = vector.load %arg0[%get3A_74, %get3A_75] : memref<512x1552xi32, #tpu.memory_space<vmem>>, vector<512x1552xi32>
    %get3A_77 = arith.constant 0 : index
    %get3A_78 = arith.constant 0 : index
    %get3A_79 = vector.load %arg1[%get3A_77, %get3A_78] : memref<512x1552xi32, #tpu.memory_space<vmem>>, vector<512x1552xi32>
    %add3A_80 = arith.addi %get3A_76, %get3A_79 : vector<512x1552xi32>
    %get3A_81 = arith.constant 0 : index
    %get3A_82 = arith.constant 0 : index
    %get3A_83 = vector.load %arg2[%get3A_81, %get3A_82] : memref<512x1552xi32, #tpu.memory_space<vmem>>, vector<512x1552xi32>
    %add3A_84 = arith.addi %add3A_80, %get3A_83 : vector<512x1552xi32>
    %get3A_85 = arith.constant 0 : index
    %get3A_86 = arith.constant 0 : index
    %get3A_87 = vector.load %arg3[%get3A_85, %get3A_86] : memref<512x1552xi32, #tpu.memory_space<vmem>>, vector<512x1552xi32>
    %add3A_88 = arith.addi %add3A_84, %get3A_87 : vector<512x1552xi32>
    %convert_element_type3A_89 = arith.sitofp %add3A_88 : vector<512x1552xi32> to vector<512x1552xf32>
    %reduce_sum3A_90 = arith.constant dense<0.000000e+00> : vector<1552xf32>
    %reduce_sum3A_91 = vector.multi_reduction <add>, %convert_element_type3A_89, %reduce_sum3A_90 [0] : vector<512x1552xf32> to vector<1552xf32>
    %broadcast_in_dim3A = vector.shape_cast %reduce_sum3A_91 : vector<1552xf32> to vector<1x1552xf32>
    %slice3A = vector.extract_strided_slice %broadcast_in_dim3A {offsets = [0, 0], sizes = [1, 512], strides = [1, 1]} : vector<1x1552xf32> to vector<1x512xf32>
    %slice3A_92 = vector.extract_strided_slice %broadcast_in_dim3A {offsets = [0, 512], sizes = [1, 512], strides = [1, 1]} : vector<1x1552xf32> to vector<1x512xf32>
    %slice3A_93 = vector.extract_strided_slice %broadcast_in_dim3A {offsets = [0, 1024], sizes = [1, 512], strides = [1, 1]} : vector<1x1552xf32> to vector<1x512xf32>
    %mul3A_94 = arith.mulf %get3A_2, %get3A_2 : f32
    %mul3A_95 = vector.broadcast %mul3A_94 : f32 to vector<1x512xf32>
    %mul3A_96 = arith.mulf %mul3A_95, %slice3A : vector<1x512xf32>
    %mul3A_97 = arith.mulf %get3A_2, %get3A_6 : f32
    %mul3A_98 = vector.broadcast %mul3A_97 : f32 to vector<1x512xf32>
    %mul3A_99 = arith.mulf %mul3A_98, %slice3A_92 : vector<1x512xf32>
    %add3A_100 = arith.addf %mul3A_96, %mul3A_99 : vector<1x512xf32>
    %mul3A_101 = arith.mulf %get3A_6, %get3A_6 : f32
    %mul3A_102 = vector.broadcast %mul3A_101 : f32 to vector<1x512xf32>
    %mul3A_103 = arith.mulf %mul3A_102, %slice3A_93 : vector<1x512xf32>
    %add3A_104 = arith.addf %add3A_100, %mul3A_103 : vector<1x512xf32>
    %mul3A_105 = arith.constant 2.000000e+00 : f32
    %mul3A_106 = vector.broadcast %mul3A_105 : f32 to vector<1x512xf32>
    %mul3A_107 = arith.mulf %mul3A_106, %add3A_104 : vector<1x512xf32>
    %get3A_108 = arith.constant 0 : index
    %get3A_109 = arith.constant 0 : index
    %get3A_110 = vector.load %arg4[%get3A_108, %get3A_109] : memref<1x512xf32, #tpu.memory_space<vmem>>, vector<1x512xf32>
    %iota3A = tpu.iota {dimensions = array<i32: 1>} : vector<1x512xi32>
    %lt3A = arith.constant 500 : i32
    %lt3A_111 = vector.broadcast %lt3A : i32 to vector<1x512xi32>
    %lt3A_112 = arith.cmpi slt, %iota3A, %lt3A_111 : vector<1x512xi32>
    %mul3A_113 = arith.constant 4.000000e+00 : f32
    %mul3A_114 = arith.constant 3.14159274 : f32
    %mul3A_115 = arith.mulf %mul3A_113, %mul3A_114 : f32
    %mul3A_116 = vector.broadcast %mul3A_115 : f32 to vector<1x512xf32>
    %mul3A_117 = arith.mulf %mul3A_116, %get3A_110 : vector<1x512xf32>
    %mul3A_118 = arith.mulf %mul3A_117, %get3A_110 : vector<1x512xf32>
    %mul3A_119 = vector.broadcast %get3A_10 : f32 to vector<1x512xf32>
    %mul3A_120 = arith.mulf %mul3A_118, %mul3A_119 : vector<1x512xf32>
    %mul3A_121 = arith.constant 4.096000e+03 : f32
    %mul3A_122 = arith.mulf %mul3A_121, %div3A_58 : f32
    %jit3A = arith.constant 1.000000e+00 : f32
    %broadcast_in_dim3A_123 = vector.broadcast %jit3A : f32 to vector<1x512xf32>
    %select_n3A = arith.select %lt3A_112, %mul3A_120, %broadcast_in_dim3A_123 : vector<1x512xi1>, vector<1x512xf32>
    %mul3A_124 = vector.broadcast %mul3A_122 : f32 to vector<1x512xf32>
    %mul3A_125 = arith.mulf %mul3A_124, %select_n3A : vector<1x512xf32>
    %mul3A_126 = vector.broadcast %mul3A_73 : f32 to vector<1x512xf32>
    %mul3A_127 = arith.mulf %mul3A_125, %mul3A_126 : vector<1x512xf32>
    %div3A_128 = arith.divf %mul3A_107, %mul3A_127 : vector<1x512xf32>
    %jit3A_129 = arith.constant 0.000000e+00 : f32
    %broadcast_in_dim3A_130 = vector.broadcast %jit3A_129 : f32 to vector<1x512xf32>
    %select_n3A_131 = arith.select %lt3A_112, %div3A_128, %broadcast_in_dim3A_130 : vector<1x512xi1>, vector<1x512xf32>
    %swap3A = arith.constant 0 : index
    %swap3A_132 = arith.constant 0 : index
    %swap3A_133 = vector.load %arg13[%swap3A, %swap3A_132] : memref<1x512xf32, #tpu.memory_space<vmem>>, vector<1x512xf32>
    tpu.vector_store %arg13[%swap3A, %swap3A_132], %select_n3A_131 {strides = array<i32>} : memref<1x512xf32, #tpu.memory_space<vmem>>, vector<1x512xf32>,
    %mul3A_134 = arith.constant 4.000000e+00 : f32
    %mul3A_135 = arith.constant 3.14159274 : f32
    %mul3A_136 = arith.mulf %mul3A_134, %mul3A_135 : f32
    %mul3A_137 = vector.broadcast %mul3A_136 : f32 to vector<1x512xf32>
    %mul3A_138 = arith.mulf %mul3A_137, %get3A_110 : vector<1x512xf32>
    %mul3A_139 = vector.broadcast %div3A_58 : f32 to vector<1x512xf32>
    %mul3A_140 = arith.mulf %mul3A_138, %mul3A_139 : vector<1x512xf32>
    %mul3A_141 = vector.broadcast %mul3A_73 : f32 to vector<1x512xf32>
    %mul3A_142 = arith.mulf %mul3A_140, %mul3A_141 : vector<1x512xf32>
    %mul3A_143 = arith.mulf %mul3A_142, %select_n3A_131 : vector<1x512xf32>
    %swap3A_144 = arith.constant 0 : index
    %swap3A_145 = arith.constant 0 : index
    %swap3A_146 = vector.load %arg14[%swap3A_144, %swap3A_145] : memref<1x512xf32, #tpu.memory_space<vmem>>, vector<1x512xf32>
    tpu.vector_store %arg14[%swap3A_144, %swap3A_145], %mul3A_143 {strides = array<i32>} : memref<1x512xf32, #tpu.memory_space<vmem>>, vector<1x512xf32>,
    %get3A_147 = arith.constant 0 : index
    %get3A_148 = arith.constant 0 : index
    %get3A_149 = vector.load %arg5[%get3A_147, %get3A_148] : memref<400x1xf32, #tpu.memory_space<vmem>>, vector<400x1xf32>
    %sub3A_150 = arith.constant 1.000000e+00 : f32
    %sub3A_151 = vector.broadcast %sub3A_150 : f32 to vector<1x512xf32>
    %sub3A_152 = arith.subf %select_n3A_131, %sub3A_151 : vector<1x512xf32>
    %mul3A_153 = arith.mulf %get3A_110, %sub3A_152 : vector<1x512xf32>
    %mul3A_154 = vector.broadcast %get3A_10 : f32 to vector<1x512xf32>
    %mul3A_155 = arith.mulf %mul3A_153, %mul3A_154 : vector<1x512xf32>
    %jit3A_156 = arith.constant 0.000000e+00 : f32
    %broadcast_in_dim3A_157 = vector.broadcast %jit3A_156 : f32 to vector<1x512xf32>
    %select_n3A_158 = arith.select %lt3A_112, %mul3A_155, %broadcast_in_dim3A_157 : vector<1x512xi1>, vector<1x512xf32>
    %mul3A_159 = vector.broadcast %get3A_149 : vector<400x1xf32> to vector<400x512xf32>
    %mul3A_160 = vector.broadcast %get3A_110 : vector<1x512xf32> to vector<400x512xf32>
    %mul3A_161 = arith.mulf %mul3A_159, %mul3A_160 : vector<400x512xf32>
    %sin3A = math.sin %mul3A_161 : vector<400x512xf32>
    %mul3A_162 = arith.constant 4.000000e+00 : f32
    %mul3A_163 = arith.constant 3.14159274 : f32
    %mul3A_164 = arith.mulf %mul3A_162, %mul3A_163 : f32
    %mul3A_165 = arith.mulf %mul3A_164, %div3A_58 : f32
    %div3A_166 = vector.broadcast %mul3A_165 : f32 to vector<400x1xf32>
    %div3A_167 = arith.divf %div3A_166, %get3A_149 : vector<400x1xf32>
    %mul3A_168 = vector.broadcast %select_n3A_158 : vector<1x512xf32> to vector<400x512xf32>
    %mul3A_169 = arith.mulf %sin3A, %mul3A_168 : vector<400x512xf32>
    %reduce_sum3A_170 = arith.constant dense<0.000000e+00> : vector<400xf32>
    %reduce_sum3A_171 = vector.multi_reduction <add>, %mul3A_169, %reduce_sum3A_170 [1] : vector<400x512xf32> to vector<400xf32>
    %broadcast_in_dim3A_172 = vector.shape_cast %reduce_sum3A_171 : vector<400xf32> to vector<400x1xf32>
    %mul3A_173 = arith.mulf %div3A_167, %broadcast_in_dim3A_172 : vector<400x1xf32>
    %add3A_174 = arith.constant 1.000000e+00 : f32
    %add3A_175 = vector.broadcast %add3A_174 : f32 to vector<400x1xf32>
    %add3A_176 = arith.addf %add3A_175, %mul3A_173 : vector<400x1xf32>
    %swap3A_177 = arith.constant 0 : index
    %swap3A_178 = arith.constant 0 : index
    %swap3A_179 = vector.load %arg15[%swap3A_177, %swap3A_178] : memref<400x1xf32, #tpu.memory_space<vmem>>, vector<400x1xf32>
    tpu.vector_store %arg15[%swap3A_177, %swap3A_178], %add3A_176 {strides = array<i32>} : memref<400x1xf32, #tpu.memory_space<vmem>>, vector<400x1xf32>,
    %get3A_180 = arith.constant 0 : index
    %get3A_181 = arith.constant 0 : index
    %get3A_182 = vector.load %arg6[%get3A_180, %get3A_181] : memref<1024x8xf32, #tpu.memory_space<vmem>>, vector<1024x1xf32>
    %reduce_sum3A_183 = vector.shape_cast %get3A_182 : vector<1024x1xf32> to vector<1x1024x1xf32>
    %reduce_sum3A_184 = arith.constant dense<0.000000e+00> : vector<1xf32>
    %reduce_sum3A_185 = vector.multi_reduction <add>, %reduce_sum3A_183, %reduce_sum3A_184 [1, 2] : vector<1x1024x1xf32> to vector<1xf32>
    %reduce_sum3A_186 = vector.shape_cast %reduce_sum3A_185 : vector<1xf32> to vector<1x1x1xf32>
    %reduce_sum3A_187 = vector.extract %reduce_sum3A_186[0, 0, 0] : f32 from vector<1x1x1xf32>
    %get3A_188 = arith.constant 0 : index
    %get3A_189 = arith.constant 0 : index
    %get3A_190 = vector.load %arg7[%get3A_188, %get3A_189] : memref<1024x8xf32, #tpu.memory_space<vmem>>, vector<1024x1xf32>
    %reduce_sum3A_191 = vector.shape_cast %get3A_190 : vector<1024x1xf32> to vector<1x1024x1xf32>
    %reduce_sum3A_192 = arith.constant dense<0.000000e+00> : vector<1xf32>
    %reduce_sum3A_193 = vector.multi_reduction <add>, %reduce_sum3A_191, %reduce_sum3A_192 [1, 2] : vector<1x1024x1xf32> to vector<1xf32>
    %reduce_sum3A_194 = vector.shape_cast %reduce_sum3A_193 : vector<1xf32> to vector<1x1x1xf32>
    %reduce_sum3A_195 = vector.extract %reduce_sum3A_194[0, 0, 0] : f32 from vector<1x1x1xf32>
    %add3A_196 = arith.addf %reduce_sum3A_187, %reduce_sum3A_195 : f32
    %get3A_197 = arith.constant 0 : index
    %get3A_198 = arith.constant 0 : index
    %get3A_199 = vector.load %arg8[%get3A_197, %get3A_198] : memref<1024x8xf32, #tpu.memory_space<vmem>>, vector<1024x1xf32>
    %reduce_sum3A_200 = vector.shape_cast %get3A_199 : vector<1024x1xf32> to vector<1x1024x1xf32>
    %reduce_sum3A_201 = arith.constant dense<0.000000e+00> : vector<1xf32>
    %reduce_sum3A_202 = vector.multi_reduction <add>, %reduce_sum3A_200, %reduce_sum3A_201 [1, 2] : vector<1x1024x1xf32> to vector<1xf32>
    %reduce_sum3A_203 = vector.shape_cast %reduce_sum3A_202 : vector<1xf32> to vector<1x1x1xf32>
    %reduce_sum3A_204 = vector.extract %reduce_sum3A_203[0, 0, 0] : f32 from vector<1x1x1xf32>
    %add3A_205 = arith.addf %add3A_196, %reduce_sum3A_204 : f32
    %get3A_206 = arith.constant 0 : index
    %get3A_207 = arith.constant 0 : index
    %get3A_208 = vector.load %arg9[%get3A_206, %get3A_207] : memref<1024x8xf32, #tpu.memory_space<vmem>>, vector<1024x1xf32>
    %reduce_sum3A_209 = vector.shape_cast %get3A_208 : vector<1024x1xf32> to vector<1x1024x1xf32>
    %reduce_sum3A_210 = arith.constant dense<0.000000e+00> : vector<1xf32>
    %reduce_sum3A_211 = vector.multi_reduction <add>, %reduce_sum3A_209, %reduce_sum3A_210 [1, 2] : vector<1x1024x1xf32> to vector<1xf32>
    %reduce_sum3A_212 = vector.shape_cast %reduce_sum3A_211 : vector<1xf32> to vector<1x1x1xf32>
    %reduce_sum3A_213 = vector.extract %reduce_sum3A_212[0, 0, 0] : f32 from vector<1x1x1xf32>
    %add3A_214 = arith.addf %add3A_205, %reduce_sum3A_213 : f32
    %get3A_215 = arith.constant 0 : index
    %get3A_216 = arith.constant 1 : index
    %get3A_217 = vector.load %arg6[%get3A_215, %get3A_216] : memref<1024x8xf32, #tpu.memory_space<vmem>>, vector<1024x1xf32>
    %reduce_sum3A_218 = vector.shape_cast %get3A_217 : vector<1024x1xf32> to vector<1x1024x1xf32>
    %reduce_sum3A_219 = arith.constant dense<0.000000e+00> : vector<1xf32>
    %reduce_sum3A_220 = vector.multi_reduction <add>, %reduce_sum3A_218, %reduce_sum3A_219 [1, 2] : vector<1x1024x1xf32> to vector<1xf32>
    %reduce_sum3A_221 = vector.shape_cast %reduce_sum3A_220 : vector<1xf32> to vector<1x1x1xf32>
    %reduce_sum3A_222 = vector.extract %reduce_sum3A_221[0, 0, 0] : f32 from vector<1x1x1xf32>
    %get3A_223 = arith.constant 0 : index
    %get3A_224 = arith.constant 1 : index
    %get3A_225 = vector.load %arg7[%get3A_223, %get3A_224] : memref<1024x8xf32, #tpu.memory_space<vmem>>, vector<1024x1xf32>
    %reduce_sum3A_226 = vector.shape_cast %get3A_225 : vector<1024x1xf32> to vector<1x1024x1xf32>
    %reduce_sum3A_227 = arith.constant dense<0.000000e+00> : vector<1xf32>
    %reduce_sum3A_228 = vector.multi_reduction <add>, %reduce_sum3A_226, %reduce_sum3A_227 [1, 2] : vector<1x1024x1xf32> to vector<1xf32>
    %reduce_sum3A_229 = vector.shape_cast %reduce_sum3A_228 : vector<1xf32> to vector<1x1x1xf32>
    %reduce_sum3A_230 = vector.extract %reduce_sum3A_229[0, 0, 0] : f32 from vector<1x1x1xf32>
    %add3A_231 = arith.addf %reduce_sum3A_222, %reduce_sum3A_230 : f32
    %get3A_232 = arith.constant 0 : index
    %get3A_233 = arith.constant 1 : index
    %get3A_234 = vector.load %arg8[%get3A_232, %get3A_233] : memref<1024x8xf32, #tpu.memory_space<vmem>>, vector<1024x1xf32>
    %reduce_sum3A_235 = vector.shape_cast %get3A_234 : vector<1024x1xf32> to vector<1x1024x1xf32>
    %reduce_sum3A_236 = arith.constant dense<0.000000e+00> : vector<1xf32>
    %reduce_sum3A_237 = vector.multi_reduction <add>, %reduce_sum3A_235, %reduce_sum3A_236 [1, 2] : vector<1x1024x1xf32> to vector<1xf32>
    %reduce_sum3A_238 = vector.shape_cast %reduce_sum3A_237 : vector<1xf32> to vector<1x1x1xf32>
    %reduce_sum3A_239 = vector.extract %reduce_sum3A_238[0, 0, 0] : f32 from vector<1x1x1xf32>
    %add3A_240 = arith.addf %add3A_231, %reduce_sum3A_239 : f32
    %get3A_241 = arith.constant 0 : index
    %get3A_242 = arith.constant 1 : index
    %get3A_243 = vector.load %arg9[%get3A_241, %get3A_242] : memref<1024x8xf32, #tpu.memory_space<vmem>>, vector<1024x1xf32>
    %reduce_sum3A_244 = vector.shape_cast %get3A_243 : vector<1024x1xf32> to vector<1x1024x1xf32>
    %reduce_sum3A_245 = arith.constant dense<0.000000e+00> : vector<1xf32>
    %reduce_sum3A_246 = vector.multi_reduction <add>, %reduce_sum3A_244, %reduce_sum3A_245 [1, 2] : vector<1x1024x1xf32> to vector<1xf32>
    %reduce_sum3A_247 = vector.shape_cast %reduce_sum3A_246 : vector<1xf32> to vector<1x1x1xf32>
    %reduce_sum3A_248 = vector.extract %reduce_sum3A_247[0, 0, 0] : f32 from vector<1x1x1xf32>
    %add3A_249 = arith.addf %add3A_240, %reduce_sum3A_248 : f32
    %max3A = arith.constant 1.000000e+00 : f32
    %max3A_250 = arith.maximumf %add3A_249, %max3A : f32
    %div3A_251 = arith.divf %add3A_214, %max3A_250 : f32
    %broadcast_in_dim3A_252 = vector.broadcast %div3A_251 : f32 to vector<1x1xf32>
    %swap3A_253 = arith.constant 0 : index
    %swap3A_254 = arith.constant 0 : index
    %swap3A_255 = vector.load %arg16[%swap3A_253, %swap3A_254] : memref<1x1xf32, #tpu.memory_space<vmem>>, vector<1x1xf32>
    tpu.vector_store %arg16[%swap3A_253, %swap3A_254], %broadcast_in_dim3A_252 {strides = array<i32>} : memref<1x1xf32, #tpu.memory_space<vmem>>, vector<1x1xf32>,
    return
  }
}

</mosaic_0001>

<sc_bundles>
// kernel: kernel.11.cloned.1.call-start
scs
__scs_entry_jumppad:
0x0: {  	(pc) =	sbr.rel $0x88, $3  }
0x1: {  	(tag) =	ssettag $0x0;
	lr =	simm.s32 $0x1  }
0x2: {  	[smem:$0x3F9B] =	sst lr;
	_ =	strace $0xD0000000  }
0x3: {  	_ = 	snop  }
0x4: {  	_ = 	snop  }
0x5: {  	_ = 	snop  }
0x6: {  	_ = 	snop  }
0x7: {  	_ = 	snop  }
__scs_overlays_trampoline_lowered:
0x8: {  	[smem:$0x3FAA] =	sst s0  }
0x9: {  	[smem:$0x3FAB] =	sst s1  }
0xa: {  	[smem:$0x3FAC] =	sst s2  }
0xb: {  	[smem:$0x3FAD] =	sst s3  }
0xc: {  	[smem:$0x3FAE] =	sst s4  }
0xd: {  	[smem:$0x3FAF] =	sst s5  }
0xe: {  	[smem:$0x3FB0] =	sst s6  }
0xf: {  	[smem:$0x3FB1] =	sst s7  }
0x10: {  	[smem:$0x3FB2] =	sst s8  }
0x11: {  	[smem:$0x3FB3] =	sst s9;
	s0 =	simm.s32 @!p0 $0x0  }
0x12: {  	s1 =	sld [smem:$0x3F99];
	s0 =	simm.s32 @p0 $0x1  }
0x13: {  	[smem:$0x3FB4] =	sst s0;
	s0 =	simm.s32 @!p1 $0x0  }
0x14: {  	s2 =	sld [smem:$0x3F98];
	s0 =	simm.s32 @p1 $0x1  }
0x15: {  	[smem:$0x3FB5] =	sst s0;
	s0 =	simm.s32 @!p2 $0x0  }
0x16: {  	s3 =	sld [smem:$0x3FDB];
	s0 =	simm.s32 @p2 $0x1  }
0x17: {  	s4 =	simm.s32 $0x1BF5;
	[smem:$0x3FB7] =	sst s0  }
0x18: {  	s0 =	sld [smem:$0x3F9A];
	_ =	swait.ge [sflag:s4], $0x0  }
0x19: {  	s7 =	sld [smem:$0x3F9B]  }
0x1a: {  	s8 =	sadd.s32 $0xFFFFE003, lr  }
0x1b: {  	s9 =	sadd.s32 $0xFFFFFEF7, lr;
	s5 =	simm.s32 $0xFFFFFFFF;
	p2 =	slt.u32 s8, $0xFFFFF086  }
0x1c: {  	p1 =	slt.u32 s9, $0xF7A;
	s5 =	simm.s32 @!p2 $0x0  }
0x1d: {  	s5 =	simm.s32 @p1 $0x1;
	p0 =	seq.s32 s7, s2  }
0x1e: {  	s7 =	smul.u32 @!p0 $0xF7A, s2;
	p2 =	seq.s32 @!p0 s5, $0x0  }
0x1f: {  	s9 =	smul.u32 $0xF7A, s1;
	s8 =	simm.s32 @!p0 $0x1BF5;
	p2 =	por !p2, p0  }
0x20: {  	[sflag:s8] =	ssyncset.s32 @!p0 $0xFFFFF086;
	s6 =	sadd.s32 @!p0 s3, s7;
	s7 =	simm.s32 @!p0 $0x108  }
0x21: {  	s3 =	sadd.s32 s3, s9;
	s6 =	sadd.s32 @!p0 $0x88, s6;
	s7 =	simm.s32 @p2 $0x1082  }
0x22: {  	[simem:s7], [sflag:s8] =	dma.local @!p0 [hbm:s6], $0xF7A  }
0x23: {  	s9 =	sor.u32 $0xD0000000, s2;
	s6 =	simm.s32 $0x108;
	_ =	swait.ge @!p0 [sflag:s8], $0x0  }
0x24: {  	s3 =	sadd.s32 $0x88, s3;
	s6 =	simm.s32 @!p1 $0x1082;
	[sflag:s4] =	ssyncset.s32 $0xFFFFF086  }
0x25: {  	[simem:s6], [sflag:s4] =	dma.local [hbm:s3], $0xF7A  }
0x26: {  	[smem:$0x3F9B] =	sst s1;
	(tag) =	ssettag s2;
	_ =	strace s9  }
0x27: {  	s1 =	sld [smem:$0x3FAB]  }
0x28: {  	s2 =	sld [smem:$0x3FAC]  }
0x29: {  	s4 =	sld [smem:$0x3FAE]  }
0x2a: {  	p0 =	seq.s32 s5, $0x0;
	s5 =	sld [smem:$0x3FAF]  }
0x2b: {  	s6 =	sld [smem:$0x3FB0]  }
0x2c: {  	s7 =	sld [smem:$0x3FB1]  }
0x2d: {  	s3 =	simm.s32 $0x108;
	s8 =	sld [smem:$0x3FB2]  }
0x2e: {  	s3 =	simm.s32 @!p0 $0x1082;
	s9 =	sld [smem:$0x3FB3]  }
0x2f: {  	lr =	sadd.s32 s0, s3;
	s0 =	sld [smem:$0x3FAA]  }
0x30: {  	s3 =	sld [smem:$0x3FAD]  }
0x31: {  	[smem:$0x3FB6] =	sst s10  }
0x32: {  	s10 =	sld [smem:$0x3FB4];
	_ =	sdelay $0x3  }
0x33: {  	p0 =	seq.s32 s10, $0x1;
	s10 =	sld [smem:$0x3FB6];
	_ =	sdelay $0x3  }
0x34: {  	[smem:$0x3FB6] =	sst s10  }
0x35: {  	s10 =	sld [smem:$0x3FB5];
	_ =	sdelay $0x3  }
0x36: {  	p1 =	seq.s32 s10, $0x1;
	s10 =	sld [smem:$0x3FB6];
	_ =	sdelay $0x3  }
0x37: {  	[smem:$0x3FB6] =	sst s10  }
0x38: {  	s10 =	sld [smem:$0x3FB7]  }
0x39: {  	_ = 	snop;
	(pc) =	sbr.ind lr, $3  }
0x3a: {  	_ = 	snop  }
0x3b: {  	_ = 	snop  }
0x3c: {  	p2 =	seq.s32 s10, $0x1;
	s10 =	sld [smem:$0x3FB6]  }
0x3d: {  	_ =	shalt  }
0x3e: {  	_ =	shalt  }
0x3f: {  	_ =	shalt  }
0x40: {  	_ =	shalt  }
0x41: {  	_ =	shalt  }
0x42: {  	_ =	shalt  }
0x43: {  	_ =	shalt  }
0x44: {  	_ =	shalt  }
0x45: {  	_ =	shalt  }
0x46: {  	_ =	shalt  }
0x47: {  	_ =	shalt  }
0x48: {  	_ =	shalt  }
0x49: {  	_ =	shalt  }
0x4a: {  	_ =	shalt  }
0x4b: {  	_ =	shalt  }
0x4c: {  	_ =	shalt  }
0x4d: {  	_ =	shalt  }
0x4e: {  	_ =	shalt  }
0x4f: {  	_ =	shalt  }
0x50: {  	_ =	shalt  }
0x51: {  	_ =	shalt  }
0x52: {  	_ =	shalt  }
0x53: {  	_ =	shalt  }
0x54: {  	_ =	shalt  }
0x55: {  	_ =	shalt  }
0x56: {  	_ =	shalt  }
0x57: {  	_ =	shalt  }
0x58: {  	_ =	shalt  }
0x59: {  	_ =	shalt  }
0x5a: {  	_ =	shalt  }
0x5b: {  	_ =	shalt  }
0x5c: {  	_ =	shalt  }
0x5d: {  	_ =	shalt  }
0x5e: {  	_ =	shalt  }
0x5f: {  	_ =	shalt  }
0x60: {  	_ =	shalt  }
0x61: {  	_ =	shalt  }
0x62: {  	_ =	shalt  }
0x63: {  	_ =	shalt  }
0x64: {  	_ =	shalt  }
0x65: {  	_ =	shalt  }
0x66: {  	_ =	shalt  }
0x67: {  	_ =	shalt  }
0x68: {  	_ =	shalt  }
0x69: {  	_ =	shalt  }
0x6a: {  	_ =	shalt  }
0x6b: {  	_ =	shalt  }
0x6c: {  	_ =	shalt  }
0x6d: {  	_ =	shalt  }
0x6e: {  	_ =	shalt  }
0x6f: {  	_ =	shalt  }
0x70: {  	_ =	shalt  }
0x71: {  	_ =	shalt  }
0x72: {  	_ =	shalt  }
0x73: {  	_ =	shalt  }
0x74: {  	_ =	shalt  }
0x75: {  	_ =	shalt  }
0x76: {  	_ =	shalt  }
0x77: {  	_ =	shalt  }
0x78: {  	_ =	shalt  }
0x79: {  	_ =	shalt  }
0x7a: {  	_ =	shalt  }
0x7b: {  	_ =	shalt  }
0x7c: {  	_ =	shalt  }
0x7d: {  	_ =	shalt  }
0x7e: {  	_ =	shalt  }
0x7f: {  	_ =	shalt  }
0x80: {  	_ =	shalt  }
0x81: {  	_ =	shalt  }
0x82: {  	_ =	shalt  }
0x83: {  	_ =	shalt  }
0x84: {  	_ =	shalt  }
0x85: {  	_ =	shalt  }
0x86: {  	_ =	shalt  }
0x87: {  	_ =	shalt  }
.Lfunc_end0:
.L_simem_size_0:
called_computation_lowered:
.L_overlay_start_0:
0x88: {  	s2 =	sld [smem:$0x3FD9]  }
0x89: {  	s3 =	sld [smem:$0x3FFE];
	_ =	sdelay $0x1  }
0x8a: {  	s1 =	srdreg.scid  }
0x8b: {  	s0 =	sand.u32 $0x1, s1  }
0x8c: {  	s17 =	sshll.u32 s0, $0xA;
	s2 =	sadd.s32 s3, s2  }
0x8d: {  	s2 =	sadd.s32 s2, s17  }
0x8e: {  	[smem:$0x3FC2] =	sst s2  }
0x8f: {  	_ = 	snop  }
0x90: {  	(tm) =	ssettm $0x1  }
0x91: {  	s18 =	sld [smem:$0x3FFB];
	_ =	sdelay $0x3  }
0x92: {  	_ =	strace s18  }
0x93: {  	s2 =	sld [smem:$0x3FFC];
	_ =	sdelay $0x3  }
0x94: {  	_ =	strace s2  }
0x95: {  	s2 =	sld [smem:$0x3FFD];
	_ =	sdelay $0x3  }
0x96: {  	_ =	strace s2  }
0x97: {  	_ =	strace $0x8FFFFFFF  }
0x98: {  	s19 =	sld [smem:$0x3FDB];
	_ =	sdelay $0x1  }
0x99: {  	s20 =	simm.s32 $_scs_section_size  }
0x9a: {  	s4 =	simm.s32 $_size__tile_overlayer_lowered;
	s5 =	simm.s32 $_tile_overlayer_lowered  }
0x9b: {  	s6 =	simm.s32 $0x1BFF;
	s21 =	sshll.u32 s5, $0x1;
	s3 =	sadd.s32 s20, s19  }
0x9c: {  	s22 =	simm.s32 $0x0;
	s4 =	sshll.u32 s4, $0x1;
	s5 =	sadd.s32 s21, s3  }
0x9d: {  	[timem:s22], [sflag:s6] =	dma.local [hbm:s5], s4  }
0x9e: {  	_ =	swait.ge [sflag:s6], s4  }
0x9f: {  	s4 =	ssub.s32 $0x0, s4;
	[sflag:s6] =	ssyncset.done $0x0  }
0xa0: {  	[sflag:s6] =	ssyncadd.s32 s4;
	_ =	sdelay $0x1  }
0xa1: {  	s23 =	simm.s32 $0x1B8B  }
0xa2: {  	_ =	swait.ge [sflag:s23], $0x1  }
0xa3: {  	[sflag:s23] =	ssyncset.done $0x0  }
0xa4: {  	[sflag:s23] =	ssyncadd.s32 $0xFFFFFFFF  }
0xa5: {  	s4 =	sld [smem:$0x0]  }
0xa6: {  	s5 =	sand.u32 $0xFFFFFFFE, s1  }
0xa7: {  	p0 =	sne.s32 s1, s5  }
0xa8: {  	s5 =	sshll.u32 @p0 s5, $0xE  }
0xa9: {  	s5 =	sadd.s32 @p0 $0x11B8D, s5;
	s6 =	sshll.u32 @p0 s4, $0x11  }
0xaa: {  	s5 =	sor.u32 @p0 s6, s5  }
0xab: {  	[sflag:s5] =	ssyncadd.remote.s32 @p0 $0x1;
	_ =	sdelay $0x1  }
0xac: {  	s5 =	simm.s32 @p0 $0x1B8D  }
0xad: {  	_ =	swait.eq @p0 [sflag:s5], $0x1  }
0xae: {  	[sflag:s5] =	ssyncadd.s32 @p0 $0xFFFFFFFF  }
0xaf: {  	s6 =	sshll.u32 @!p0 s1, $0xE  }
0xb0: {  	s6 =	sor.u32 @!p0 $0x4000, s6;
	s5 =	simm.s32 @!p0 $0x1B8D  }
0xb1: {  	s4 =	sshll.u32 @!p0 s4, $0x11;
	s6 =	sadd.s32 @!p0 $0x11B8D, s6;
	_ =	swait.eq @!p0 [sflag:s5], $0x1  }
0xb2: {  	s4 =	sor.u32 @!p0 s4, s6;
	[sflag:s5] =	ssyncadd.s32 @!p0 $0xFFFFFFFF  }
0xb3: {  	s25 =	simm.s32 $0x1B8E;
	s24 =	sld [smem:$0x3FFE];
	[sflag:s4] =	ssyncadd.remote.s32 @!p0 $0x1  }
0xb4: {  	s26 =	simm.s32 $execute0_lowered;
	[smem:$0x3FD2] =	sst s25  }
0xb5: {  	s5 =	sshll.u32 s26, $0x1;
	_ =	strace $0x8000004F;
	[dreg:$0x1] =	wrdreg $0xFFFFFFFF  }
0xb6: {  	s28 =	simm.s32 $_size_execute0_lowered;
	s3 =	sadd.s32 s3, s5;
	[dreg:$0x0] =	wrdreg $0x0  }
0xb7: {  	s5 =	sshll.u32 s28, $0x1;
	[dreg:$0x2] =	wrdreg s3  }
0xb8: {  	[dreg:$0x3] =	wrdreg s5  }
0xb9: {  	[dreg:$0x4] =	wrdreg $0xC0  }
0xba: {  	_ =	task [dreg:s22], $0x5FFFF  }
0xbb: {  	[dreg:$0x1] =	wrdreg $0xFFFFFFFF  }
0xbc: {  	[dreg:$0x0] =	wrdreg $0x60  }
0xbd: {  	[dreg:$0x2] =	wrdreg s24  }
0xbe: {  	[dreg:$0x3] =	wrdreg $0x9  }
0xbf: {  	_ =	task.clear_ibuf [dreg:s22], $0x4FFFF;
	_ =	strace $0x9000004F  }
0xc0: {  	s29 =	simm.s32 $0x9;
	_ =	strace $0x80000051  }
0xc1: {  	_ =	swait.ge [sflag:s29], $0x1  }
0xc2: {  	[sflag:s29] =	ssyncadd.s32 $0xFFFFFFFF  }
0xc3: {  	_ =	strace $0x90000051  }
0xc4: {  	_ =	sfence  }
0xc5: {  	s30 =	sld [smem:$0x0];
	_ =	sdelay $0x2  }
0xc6: {  	s31 =	sshll.u32 s1, $0xD;
	s1 =	sshrl.u32 s1, $0x2  }
0xc7: {  	s4 =	sand.u32 $0x4000, s31;
	s1 =	sadd.s32 s1, s30  }
0xc8: {  	s0 =	sor.u32 s4, s0;
	s1 =	sshll.u32 s1, $0x11  }
0xc9: {  	s0 =	sor.u32 s1, s0  }
0xca: {  	s0 =	sadd.s32 $0x8F2B, s0  }
0xcb: {  	[sflag:s0] =	ssyncadd.remote.s32 $0x1  }
0xcc: {  	_ =	sfence.sel $0xFFFF  }
0xcd: {  	[dreg:$0x0] =	wrdreg $0xFFFFFFFF;
	(pc) =	sbr.abs _section_cstart, $3  }
0xce: {  	[dreg:$0x1] =	wrdreg $0xFFFFFFFF  }
0xcf: {  	_ =	task.clear_ibuf [dreg:s22], $0x2FFFF;
	_ =	strace $0x9FFFFFFF  }
0xd0: {  	(tm) =	ssettm $0x7FFFFFFF  }
0xd1: {  	_ =	shalt  }
tec
execute0_lowered:
.L_overlay_start_1:
0x0: {  	(tag) =	ssettag $0x1  }
0x1: {  	s1 =	srdreg.scid;
	s0 =	stileid.u32  }
0x2: {  	s3 =	rddreg [dreg:$0x0];
	s2 =	simm.s32 $0x0;
	s8 =	simm.s32 $0x0  }
0x3: {  	s4 =	sand.u32 $0x1, s1;
	s5 =	sshll.u32 s0, $0x1;
	s1 =	rddreg [dreg:$0x1]  }
0x4: {  	[smem:$0x7FF] =	sst s2;
	s5 =	sor.u32 s4, s5;
	s4 =	ssub.s32 $0x2, s4  }
0x5: {  	s6 =	smul.u32 $0xC20, s5;
	s5 =	sshll.u32 s5, $0xE;
	s7 =	sshrl.u32 s4, $0x1  }
0x6: {  	_ =	strace $0x80000050;
	s5 =	sadd.s32 s5, s3;
	s7 =	ssub.s32 s4, s7  }
0x7: {  	v1 =	vlaneseq.u32;
	s6 =	sadd.s32 s6, s3;
	s3 =	sadd.s32 $0x1CC200, s5;
	s5 =	smax.u32 s7, $0x1  }
0x8: {  	v0 =	vimm.s32 $0x0;
	v2 =	vimm.s32 $0x1;
	v1 =	vmul.u32 $0x610, v1;
	s7 =	simm.s32 $0x8000;
	s4 =	sadd.s32 $0x24C200, s6;
	s6 =	simm.s32 $0x1  }
.LBB2_1:
0x9: {  	s9 =	simm.s32 $0x40;
	s10 =	simm.s32 $0x0  }
.LBB2_2:
0xa: {  	p0 =	sne.s32 s9, $0x183C0;
	[tilespmem:s10+$0x8000] =	vst v0;
	s10 =	smov.u32 s9;
	s9 =	sadd.s32 $0x40, s9  }
.Ltmp0:
0xb: {  	(pc) =	sbr.rel @p0 .LBB2_2-.Ltmp0, $2  }
0xc: {  	_ =	sdelay $0x2  }
0xd: {  	s10 =	sshra.s32 s10, $0x2  }
0xe: {  	[tilespmem:s10+$0x8000] =	vst v0;
	s9 =	simm.s32 $0x0;
	s10 =	simm.s32 $0x0  }
.LBB2_4:
0xf: {  	s11 =	sshll.u32 s10, $0xC  }
0x10: {  	s11 =	sadd.s32 s11, s3  }
0x11: {  	[tilespmem:s9], [sflag:$0x1] =	stream.linear.gather [hbm4b:s11+s9], $0x8000, $0x38;
	[tilespmem:$0xE100] =	vst v63  }
0x12: {  	_ =	swait.ge [sflag:s6], $0x8000  }
0x13: {  	s12 =	simm.s32 $0x0;
	[sflag:s6] =	ssyncset.done $0x0  }
0x14: {  	s13 =	simm.s32 $0x0;
	s11 =	simm.s32 $0x0;
	[sflag:s6] =	ssyncadd.s32 $0xFFFF8000  }
.LBB2_5:
0x15: {  	s14 =	sand.u32 $0x70, s13;
	s15 =	sand.u32 $0x7C00, s12  }
0x16: {  	s14 =	sor.u32 s14, s15  }
0x17: {  	v3 =	vld [tilespmem:s14+$0x0];
	_ =	sdelay $0x4  }
0x18: {  	vm0 =	vlt.s32 v3, $0x600  }
0x19: {  	v3 =	vadd.s32 v1, v3;
	_ =	sdelay $0x4  }
0x1a: {  	[tilespmem:v3+s7+$0x0] =	vst.idx.add.s32.msk vm0, v2  }
0x1b: {  	v3 =	vld [tilespmem:s14+$0x80];
	_ =	sdelay $0x4  }
0x1c: {  	vm9 =	vlt.s32 v3, $0x600  }
0x1d: {  	v3 =	vadd.s32 v1, v3;
	_ =	sdelay $0x4  }
0x1e: {  	[tilespmem:v3+s7+$0x0] =	vst.idx.add.s32.msk vm9, v2  }
0x1f: {  	v3 =	vld [tilespmem:s14+$0x100];
	_ =	sdelay $0x4  }
0x20: {  	vm10 =	vlt.s32 v3, $0x600  }
0x21: {  	v3 =	vadd.s32 v1, v3;
	_ =	sdelay $0x4  }
0x22: {  	[tilespmem:v3+s7+$0x0] =	vst.idx.add.s32.msk vm10, v2  }
0x23: {  	v3 =	vld [tilespmem:s14+$0x180];
	_ =	sdelay $0x4  }
0x24: {  	vm11 =	vlt.s32 v3, $0x600  }
0x25: {  	v3 =	vadd.s32 v1, v3;
	_ =	sdelay $0x4  }
0x26: {  	[tilespmem:v3+s7+$0x0] =	vst.idx.add.s32.msk vm11, v2  }
0x27: {  	v3 =	vld [tilespmem:s14+$0x200];
	_ =	sdelay $0x4  }
0x28: {  	vm12 =	vlt.s32 v3, $0x600  }
0x29: {  	v3 =	vadd.s32 v1, v3;
	_ =	sdelay $0x4  }
0x2a: {  	[tilespmem:v3+s7+$0x0] =	vst.idx.add.s32.msk vm12, v2  }
0x2b: {  	v3 =	vld [tilespmem:s14+$0x280];
	_ =	sdelay $0x4  }
0x2c: {  	vm13 =	vlt.s32 v3, $0x600  }
0x2d: {  	v3 =	vadd.s32 v1, v3;
	_ =	sdelay $0x4  }
0x2e: {  	[tilespmem:v3+s7+$0x0] =	vst.idx.add.s32.msk vm13, v2  }
0x2f: {  	v3 =	vld [tilespmem:s14+$0x300];
	_ =	sdelay $0x4  }
0x30: {  	vm14 =	vlt.s32 v3, $0x600  }
0x31: {  	v3 =	vadd.s32 v1, v3;
	_ =	sdelay $0x1  }
0x32: {  	s31 =	sand.u32 $0x7, s11  }
0x33: {  	s14 =	sshll.u32 s31, $0x4  }
0x34: {  	s14 =	sadd.s32 s14, s12  }
0x35: {  	s14 =	sor.u32 $0x380, s14;
	[tilespmem:v3+s7+$0x0] =	vst.idx.add.s32.msk vm14, v2  }
0x36: {  	v3 =	vld [tilespmem:s14+$0x0];
	_ =	sdelay $0x4  }
0x37: {  	vm15 =	vlt.s32 v3, $0x600  }
0x38: {  	p0 =	sne.s32 s13, $0xFF0;
	v3 =	vadd.s32 v1, v3  }
.Ltmp1:
0x39: {  	_ = 	snop;
	(pc) =	sbr.rel @p0 .LBB2_5-.Ltmp1, $2  }
0x3a: {  	_ =	sdelay $0x2  }
0x3b: {  	s11 =	sadd.s32 $0x1, s11;
	s13 =	sadd.s32 $0x10, s13;
	s12 =	sadd.s32 $0x80, s12;
	[tilespmem:v3+s7+$0x0] =	vst.idx.add.s32.msk vm15, v2  }
0x3c: {  	s10 =	sadd.s32 $0x1, s10  }
0x3d: {  	p0 =	sne.s32 s10, $0x4  }
.Ltmp2:
0x3e: {  	_ = 	snop;
	(pc) =	sbr.rel @p0 .LBB2_4-.Ltmp2, $1  }
0x3f: {  	_ =	sdelay $0x3  }
0x40: {  	s8 =	sadd.s32 $0x1, s8  }
0x41: {  	p0 =	sne.s32 s8, s5  }
.Ltmp3:
0x42: {  	_ = 	snop;
	(pc) =	sbr.rel @p0 .LBB2_1-.Ltmp3, $4  }
0x43: {  	[hbm4b:s4+s2] =	stream.linear.scatter [tilespmem:s7], [sflag:$0x1], $0x6100, $0x38;
	[tilespmem:$0xE100] =	vst v63  }
0x44: {  	_ =	swait.ge [sflag:s6], $0x6100  }
0x45: {  	[sflag:s6] =	ssyncset.done $0x0  }
0x46: {  	[sflag:s6] =	ssyncadd.s32 $0xFFFF9F00  }
0x47: {  	_ =	sfence.sel $0x180000  }
0x48: {  	[bflag:$0x0] =	sbarrier.arrive $0xFFFF  }
0x49: {  	p0 =	sne.s32 s0, $0x0;
	_ =	strace $0x90000050  }
0x4a: {  	s0 =	sadd.s32 @!p0 $0x100000, s1;
	[bflag:$0x2] =	sbarrier.arrive $0xFFFF  }
0x4b: {  	[sflag:s0] =	ssyncadd.tile.s32 @!p0 $0x1;
	_ =	shalt  }
.Lfunc_end2:
_tile_overlayer_lowered:
.L_overlay_start_2:
0x4c: {  	(tag) =	ssettag $0x2  }
0x4d: {  	s0 =	rddreg [dreg:$0x0];
	s2 =	stileid.u32  }
0x4e: {  	s1 =	rddreg [dreg:$0x1];
	p0 =	sne.s32 s2, $0x0  }
0x4f: {  	s3 =	rddreg [dreg:$0x2];
	[bflag:$0x3] =	sbarrier.arrive $0xFFFF;
	s2 =	simm.s32 @!p0 $0x1C01  }
0x50: {  	[timem:s3], [sflag:s2] =	dma.local @!p0 [hbm:s0], s1  }
0x51: {  	s0 =	simm.s32 @!p0 $0x1  }
0x52: {  	_ =	swait.ge @!p0 [sflag:s0], s1  }
0x53: {  	s1 =	ssub.s32 @!p0 $0x0, s1;
	[sflag:s0] =	ssyncset.done @!p0 $0x0  }
0x54: {  	[sflag:s0] =	ssyncadd.s32 @!p0 s1  }
0x55: {  	[bflag:$0x3] =	sbarrier.arrive $0xFFFF  }
0x56: {  	_ =	shalt  }

// kernel: kernel.14.cloned.1.call-start
scs
__scs_entry_jumppad:
0x0: {  	(pc) =	sbr.rel $0x88, $3  }
0x1: {  	(tag) =	ssettag $0x0;
	lr =	simm.s32 $0x1  }
0x2: {  	[smem:$0x3F9B] =	sst lr;
	_ =	strace $0xD0000000  }
0x3: {  	_ = 	snop  }
0x4: {  	_ = 	snop  }
0x5: {  	_ = 	snop  }
0x6: {  	_ = 	snop  }
0x7: {  	_ = 	snop  }
__scs_overlays_trampoline_lowered:
0x8: {  	[smem:$0x3FAA] =	sst s0  }
0x9: {  	[smem:$0x3FAB] =	sst s1  }
0xa: {  	[smem:$0x3FAC] =	sst s2  }
0xb: {  	[smem:$0x3FAD] =	sst s3  }
0xc: {  	[smem:$0x3FAE] =	sst s4  }
0xd: {  	[smem:$0x3FAF] =	sst s5  }
0xe: {  	[smem:$0x3FB0] =	sst s6  }
0xf: {  	[smem:$0x3FB1] =	sst s7  }
0x10: {  	[smem:$0x3FB2] =	sst s8  }
0x11: {  	[smem:$0x3FB3] =	sst s9;
	s0 =	simm.s32 @!p0 $0x0  }
0x12: {  	s1 =	sld [smem:$0x3F99];
	s0 =	simm.s32 @p0 $0x1  }
0x13: {  	[smem:$0x3FB4] =	sst s0;
	s0 =	simm.s32 @!p1 $0x0  }
0x14: {  	s2 =	sld [smem:$0x3F98];
	s0 =	simm.s32 @p1 $0x1  }
0x15: {  	[smem:$0x3FB5] =	sst s0;
	s0 =	simm.s32 @!p2 $0x0  }
0x16: {  	s3 =	sld [smem:$0x3FDB];
	s0 =	simm.s32 @p2 $0x1  }
0x17: {  	s4 =	simm.s32 $0x1BF5;
	[smem:$0x3FB7] =	sst s0  }
0x18: {  	s0 =	sld [smem:$0x3F9A];
	_ =	swait.ge [sflag:s4], $0x0  }
0x19: {  	s7 =	sld [smem:$0x3F9B]  }
0x1a: {  	s8 =	sadd.s32 $0xFFFFE003, lr  }
0x1b: {  	s9 =	sadd.s32 $0xFFFFFEF7, lr;
	s5 =	simm.s32 $0xFFFFFFFF;
	p2 =	slt.u32 s8, $0xFFFFF086  }
0x1c: {  	p1 =	slt.u32 s9, $0xF7A;
	s5 =	simm.s32 @!p2 $0x0  }
0x1d: {  	s5 =	simm.s32 @p1 $0x1;
	p0 =	seq.s32 s7, s2  }
0x1e: {  	s7 =	smul.u32 @!p0 $0xF7A, s2;
	p2 =	seq.s32 @!p0 s5, $0x0  }
0x1f: {  	s9 =	smul.u32 $0xF7A, s1;
	s8 =	simm.s32 @!p0 $0x1BF5;
	p2 =	por !p2, p0  }
0x20: {  	[sflag:s8] =	ssyncset.s32 @!p0 $0xFFFFF086;
	s6 =	sadd.s32 @!p0 s3, s7;
	s7 =	simm.s32 @!p0 $0x108  }
0x21: {  	s3 =	sadd.s32 s3, s9;
	s6 =	sadd.s32 @!p0 $0x88, s6;
	s7 =	simm.s32 @p2 $0x1082  }
0x22: {  	[simem:s7], [sflag:s8] =	dma.local @!p0 [hbm:s6], $0xF7A  }
0x23: {  	s9 =	sor.u32 $0xD0000000, s2;
	s6 =	simm.s32 $0x108;
	_ =	swait.ge @!p0 [sflag:s8], $0x0  }
0x24: {  	s3 =	sadd.s32 $0x88, s3;
	s6 =	simm.s32 @!p1 $0x1082;
	[sflag:s4] =	ssyncset.s32 $0xFFFFF086  }
0x25: {  	[simem:s6], [sflag:s4] =	dma.local [hbm:s3], $0xF7A  }
0x26: {  	[smem:$0x3F9B] =	sst s1;
	(tag) =	ssettag s2;
	_ =	strace s9  }
0x27: {  	s1 =	sld [smem:$0x3FAB]  }
0x28: {  	s2 =	sld [smem:$0x3FAC]  }
0x29: {  	s4 =	sld [smem:$0x3FAE]  }
0x2a: {  	p0 =	seq.s32 s5, $0x0;
	s5 =	sld [smem:$0x3FAF]  }
0x2b: {  	s6 =	sld [smem:$0x3FB0]  }
0x2c: {  	s7 =	sld [smem:$0x3FB1]  }
0x2d: {  	s3 =	simm.s32 $0x108;
	s8 =	sld [smem:$0x3FB2]  }
0x2e: {  	s3 =	simm.s32 @!p0 $0x1082;
	s9 =	sld [smem:$0x3FB3]  }
0x2f: {  	lr =	sadd.s32 s0, s3;
	s0 =	sld [smem:$0x3FAA]  }
0x30: {  	s3 =	sld [smem:$0x3FAD]  }
0x31: {  	[smem:$0x3FB6] =	sst s10  }
0x32: {  	s10 =	sld [smem:$0x3FB4];
	_ =	sdelay $0x3  }
0x33: {  	p0 =	seq.s32 s10, $0x1;
	s10 =	sld [smem:$0x3FB6];
	_ =	sdelay $0x3  }
0x34: {  	[smem:$0x3FB6] =	sst s10  }
0x35: {  	s10 =	sld [smem:$0x3FB5];
	_ =	sdelay $0x3  }
0x36: {  	p1 =	seq.s32 s10, $0x1;
	s10 =	sld [smem:$0x3FB6];
	_ =	sdelay $0x3  }
0x37: {  	[smem:$0x3FB6] =	sst s10  }
0x38: {  	s10 =	sld [smem:$0x3FB7]  }
0x39: {  	_ = 	snop;
	(pc) =	sbr.ind lr, $3  }
0x3a: {  	_ = 	snop  }
0x3b: {  	_ = 	snop  }
0x3c: {  	p2 =	seq.s32 s10, $0x1;
	s10 =	sld [smem:$0x3FB6]  }
0x3d: {  	_ =	shalt  }
0x3e: {  	_ =	shalt  }
0x3f: {  	_ =	shalt  }
0x40: {  	_ =	shalt  }
0x41: {  	_ =	shalt  }
0x42: {  	_ =	shalt  }
0x43: {  	_ =	shalt  }
0x44: {  	_ =	shalt  }
0x45: {  	_ =	shalt  }
0x46: {  	_ =	shalt  }
0x47: {  	_ =	shalt  }
0x48: {  	_ =	shalt  }
0x49: {  	_ =	shalt  }
0x4a: {  	_ =	shalt  }
0x4b: {  	_ =	shalt  }
0x4c: {  	_ =	shalt  }
0x4d: {  	_ =	shalt  }
0x4e: {  	_ =	shalt  }
0x4f: {  	_ =	shalt  }
0x50: {  	_ =	shalt  }
0x51: {  	_ =	shalt  }
0x52: {  	_ =	shalt  }
0x53: {  	_ =	shalt  }
0x54: {  	_ =	shalt  }
0x55: {  	_ =	shalt  }
0x56: {  	_ =	shalt  }
0x57: {  	_ =	shalt  }
0x58: {  	_ =	shalt  }
0x59: {  	_ =	shalt  }
0x5a: {  	_ =	shalt  }
0x5b: {  	_ =	shalt  }
0x5c: {  	_ =	shalt  }
0x5d: {  	_ =	shalt  }
0x5e: {  	_ =	shalt  }
0x5f: {  	_ =	shalt  }
0x60: {  	_ =	shalt  }
0x61: {  	_ =	shalt  }
0x62: {  	_ =	shalt  }
0x63: {  	_ =	shalt  }
0x64: {  	_ =	shalt  }
0x65: {  	_ =	shalt  }
0x66: {  	_ =	shalt  }
0x67: {  	_ =	shalt  }
0x68: {  	_ =	shalt  }
0x69: {  	_ =	shalt  }
0x6a: {  	_ =	shalt  }
0x6b: {  	_ =	shalt  }
0x6c: {  	_ =	shalt  }
0x6d: {  	_ =	shalt  }
0x6e: {  	_ =	shalt  }
0x6f: {  	_ =	shalt  }
0x70: {  	_ =	shalt  }
0x71: {  	_ =	shalt  }
0x72: {  	_ =	shalt  }
0x73: {  	_ =	shalt  }
0x74: {  	_ =	shalt  }
0x75: {  	_ =	shalt  }
0x76: {  	_ =	shalt  }
0x77: {  	_ =	shalt  }
0x78: {  	_ =	shalt  }
0x79: {  	_ =	shalt  }
0x7a: {  	_ =	shalt  }
0x7b: {  	_ =	shalt  }
0x7c: {  	_ =	shalt  }
0x7d: {  	_ =	shalt  }
0x7e: {  	_ =	shalt  }
0x7f: {  	_ =	shalt  }
0x80: {  	_ =	shalt  }
0x81: {  	_ =	shalt  }
0x82: {  	_ =	shalt  }
0x83: {  	_ =	shalt  }
0x84: {  	_ =	shalt  }
0x85: {  	_ =	shalt  }
0x86: {  	_ =	shalt  }
0x87: {  	_ =	shalt  }
.Lfunc_end0:
.L_simem_size_0:
called_computation.1_lowered:
.L_overlay_start_0:
0x88: {  	s2 =	sld [smem:$0x3FD9]  }
0x89: {  	s3 =	sld [smem:$0x3FFE];
	_ =	sdelay $0x1  }
0x8a: {  	s1 =	srdreg.scid  }
0x8b: {  	s0 =	sand.u32 $0x1, s1  }
0x8c: {  	s16 =	sshll.u32 s0, $0xA;
	s2 =	sadd.s32 s3, s2  }
0x8d: {  	s2 =	sadd.s32 s2, s16  }
0x8e: {  	[smem:$0x3FC2] =	sst s2  }
0x8f: {  	_ = 	snop  }
0x90: {  	(tm) =	ssettm $0x1  }
0x91: {  	s17 =	sld [smem:$0x3FFB];
	_ =	sdelay $0x3  }
0x92: {  	_ =	strace s17  }
0x93: {  	s2 =	sld [smem:$0x3FFC];
	_ =	sdelay $0x3  }
0x94: {  	_ =	strace s2  }
0x95: {  	s2 =	sld [smem:$0x3FFD];
	_ =	sdelay $0x3  }
0x96: {  	_ =	strace s2  }
0x97: {  	_ =	strace $0x8FFFFFFF  }
0x98: {  	s18 =	sld [smem:$0x3FDB];
	_ =	sdelay $0x1  }
0x99: {  	s19 =	simm.s32 $_scs_section_size  }
0x9a: {  	s4 =	simm.s32 $_size__tile_overlayer_lowered;
	s5 =	simm.s32 $_tile_overlayer_lowered  }
0x9b: {  	s22 =	simm.s32 $0x1BFF;
	s21 =	sshll.u32 s5, $0x1;
	s2 =	sadd.s32 s19, s18  }
0x9c: {  	s6 =	simm.s32 $0x0;
	s20 =	sshll.u32 s4, $0x1;
	s4 =	sadd.s32 s21, s2  }
0x9d: {  	[timem:s6], [sflag:s22] =	dma.local [hbm:s4], s20  }
0x9e: {  	_ =	swait.ge [sflag:s22], s20  }
0x9f: {  	s3 =	ssub.s32 $0x0, s20;
	[sflag:s22] =	ssyncset.done $0x0  }
0xa0: {  	[sflag:s22] =	ssyncadd.s32 s3;
	_ =	sdelay $0x1  }
0xa1: {  	s23 =	simm.s32 $0x1B8B  }
0xa2: {  	_ =	swait.ge [sflag:s23], $0x1  }
0xa3: {  	[sflag:s23] =	ssyncset.done $0x0  }
0xa4: {  	s25 =	simm.s32 $0x1B8E;
	s24 =	sld [smem:$0x3FFE];
	[sflag:s23] =	ssyncadd.s32 $0xFFFFFFFF  }
0xa5: {  	s26 =	simm.s32 $execute0_lowered;
	[smem:$0x3FD2] =	sst s25  }
0xa6: {  	s4 =	sshll.u32 s26, $0x1;
	_ =	strace $0x80000046;
	[dreg:$0x1] =	wrdreg $0xFFFFFFFF  }
0xa7: {  	s28 =	simm.s32 $_size_execute0_lowered;
	s2 =	sadd.s32 s2, s4;
	[dreg:$0x0] =	wrdreg $0x0  }
0xa8: {  	s4 =	sshll.u32 s28, $0x1;
	[dreg:$0x2] =	wrdreg s2  }
0xa9: {  	[dreg:$0x3] =	wrdreg s4  }
0xaa: {  	[dreg:$0x4] =	wrdreg $0xC0  }
0xab: {  	_ =	task [dreg:s6], $0x5FFFF  }
0xac: {  	[dreg:$0x1] =	wrdreg $0xFFFFFFFF  }
0xad: {  	[dreg:$0x0] =	wrdreg $0x60  }
0xae: {  	[dreg:$0x2] =	wrdreg s24  }
0xaf: {  	[dreg:$0x3] =	wrdreg $0xA  }
0xb0: {  	_ =	task.clear_ibuf [dreg:s6], $0x4FFFF;
	_ =	strace $0x90000046  }
0xb1: {  	s29 =	simm.s32 $0xA;
	_ =	strace $0x80000048  }
0xb2: {  	_ =	swait.ge [sflag:s29], $0x1  }
0xb3: {  	[sflag:s29] =	ssyncadd.s32 $0xFFFFFFFF  }
0xb4: {  	_ =	strace $0x90000048  }
0xb5: {  	_ =	sfence  }
0xb6: {  	s30 =	sld [smem:$0x0];
	_ =	sdelay $0x2  }
0xb7: {  	s31 =	sshll.u32 s1, $0xD;
	s1 =	sshrl.u32 s1, $0x2  }
0xb8: {  	s3 =	sand.u32 $0x4000, s31;
	s1 =	sadd.s32 s1, s30  }
0xb9: {  	s0 =	sor.u32 s3, s0;
	s1 =	sshll.u32 s1, $0x11  }
0xba: {  	s0 =	sor.u32 s1, s0  }
0xbb: {  	s0 =	sadd.s32 $0x8F2B, s0  }
0xbc: {  	[sflag:s0] =	ssyncadd.remote.s32 $0x1  }
0xbd: {  	_ =	sfence.sel $0xFFFF  }
0xbe: {  	[dreg:$0x0] =	wrdreg $0xFFFFFFFF;
	(pc) =	sbr.abs _section_cstart, $3  }
0xbf: {  	[dreg:$0x1] =	wrdreg $0xFFFFFFFF  }
0xc0: {  	_ =	task.clear_ibuf [dreg:s6], $0x2FFFF;
	_ =	strace $0x9FFFFFFF  }
0xc1: {  	(tm) =	ssettm $0x7FFFFFFF  }
tec
execute0_lowered:
.L_overlay_start_1:
0x0: {  	(tag) =	ssettag $0x1  }
0x1: {  	s1 =	srdreg.scid;
	s0 =	stileid.u32  }
0x2: {  	s3 =	rddreg [dreg:$0x0];
	s2 =	simm.s32 $0x0;
	s8 =	simm.s32 $0x0  }
0x3: {  	s4 =	sand.u32 $0x1, s1;
	s5 =	sshll.u32 s0, $0x1;
	s1 =	rddreg [dreg:$0x1]  }
0x4: {  	[smem:$0x7FF] =	sst s2;
	s5 =	sor.u32 s4, s5;
	s4 =	ssub.s32 $0x2, s4  }
0x5: {  	s6 =	smul.u32 $0xC20, s5;
	s5 =	sshll.u32 s5, $0xE;
	s7 =	sshrl.u32 s4, $0x1  }
0x6: {  	_ =	strace $0x80000047;
	s5 =	sadd.s32 s5, s3;
	s7 =	ssub.s32 s4, s7  }
0x7: {  	v1 =	vlaneseq.u32;
	s6 =	sadd.s32 s6, s3;
	s3 =	sadd.s32 $0x3600, s5;
	s5 =	smax.u32 s7, $0x1  }
0x8: {  	v0 =	vimm.s32 $0x0;
	v2 =	vimm.s32 $0x1;
	v1 =	vmul.u32 $0x610, v1;
	s7 =	simm.s32 $0x8000;
	s4 =	sadd.s32 $0x83600, s6;
	s6 =	simm.s32 $0x1  }
.LBB2_1:
0x9: {  	s9 =	simm.s32 $0x40;
	s10 =	simm.s32 $0x0  }
.LBB2_2:
0xa: {  	p0 =	sne.s32 s9, $0x183C0;
	[tilespmem:s10+$0x8000] =	vst v0;
	s10 =	smov.u32 s9;
	s9 =	sadd.s32 $0x40, s9  }
.Ltmp0:
0xb: {  	(pc) =	sbr.rel @p0 .LBB2_2-.Ltmp0, $2  }
0xc: {  	_ =	sdelay $0x2  }
0xd: {  	s10 =	sshra.s32 s10, $0x2  }
0xe: {  	[tilespmem:s10+$0x8000] =	vst v0;
	s9 =	simm.s32 $0x0;
	s10 =	simm.s32 $0x0  }
.LBB2_4:
0xf: {  	s11 =	sshll.u32 s10, $0xC  }
0x10: {  	s11 =	sadd.s32 s11, s3  }
0x11: {  	[tilespmem:s9], [sflag:$0x1] =	stream.linear.gather [hbm4b:s11+s9], $0x8000, $0x38;
	[tilespmem:$0xE100] =	vst v63  }
0x12: {  	_ =	swait.ge [sflag:s6], $0x8000  }
0x13: {  	s12 =	simm.s32 $0x0;
	[sflag:s6] =	ssyncset.done $0x0  }
0x14: {  	s13 =	simm.s32 $0x0;
	s11 =	simm.s32 $0x0;
	[sflag:s6] =	ssyncadd.s32 $0xFFFF8000  }
.LBB2_5:
0x15: {  	s14 =	sand.u32 $0x70, s13;
	s15 =	sand.u32 $0x7C00, s12  }
0x16: {  	s14 =	sor.u32 s14, s15  }
0x17: {  	v3 =	vld [tilespmem:s14+$0x0];
	_ =	sdelay $0x4  }
0x18: {  	vm0 =	vlt.s32 v3, $0x600  }
0x19: {  	v3 =	vadd.s32 v1, v3;
	_ =	sdelay $0x4  }
0x1a: {  	[tilespmem:v3+s7+$0x0] =	vst.idx.add.s32.msk vm0, v2  }
0x1b: {  	v3 =	vld [tilespmem:s14+$0x80];
	_ =	sdelay $0x4  }
0x1c: {  	vm9 =	vlt.s32 v3, $0x600  }
0x1d: {  	v3 =	vadd.s32 v1, v3;
	_ =	sdelay $0x4  }
0x1e: {  	[tilespmem:v3+s7+$0x0] =	vst.idx.add.s32.msk vm9, v2  }
0x1f: {  	v3 =	vld [tilespmem:s14+$0x100];
	_ =	sdelay $0x4  }
0x20: {  	vm10 =	vlt.s32 v3, $0x600  }
0x21: {  	v3 =	vadd.s32 v1, v3;
	_ =	sdelay $0x4  }
0x22: {  	[tilespmem:v3+s7+$0x0] =	vst.idx.add.s32.msk vm10, v2  }
0x23: {  	v3 =	vld [tilespmem:s14+$0x180];
	_ =	sdelay $0x4  }
0x24: {  	vm11 =	vlt.s32 v3, $0x600  }
0x25: {  	v3 =	vadd.s32 v1, v3;
	_ =	sdelay $0x4  }
0x26: {  	[tilespmem:v3+s7+$0x0] =	vst.idx.add.s32.msk vm11, v2  }
0x27: {  	v3 =	vld [tilespmem:s14+$0x200];
	_ =	sdelay $0x4  }
0x28: {  	vm12 =	vlt.s32 v3, $0x600  }
0x29: {  	v3 =	vadd.s32 v1, v3;
	_ =	sdelay $0x4  }
0x2a: {  	[tilespmem:v3+s7+$0x0] =	vst.idx.add.s32.msk vm12, v2  }
0x2b: {  	v3 =	vld [tilespmem:s14+$0x280];
	_ =	sdelay $0x4  }
0x2c: {  	vm13 =	vlt.s32 v3, $0x600  }
0x2d: {  	v3 =	vadd.s32 v1, v3;
	_ =	sdelay $0x4  }
0x2e: {  	[tilespmem:v3+s7+$0x0] =	vst.idx.add.s32.msk vm13, v2  }
0x2f: {  	v3 =	vld [tilespmem:s14+$0x300];
	_ =	sdelay $0x4  }
0x30: {  	vm14 =	vlt.s32 v3, $0x600  }
0x31: {  	v3 =	vadd.s32 v1, v3;
	_ =	sdelay $0x1  }
0x32: {  	s31 =	sand.u32 $0x7, s11  }
0x33: {  	s14 =	sshll.u32 s31, $0x4  }
0x34: {  	s14 =	sadd.s32 s14, s12  }
0x35: {  	s14 =	sor.u32 $0x380, s14;
	[tilespmem:v3+s7+$0x0] =	vst.idx.add.s32.msk vm14, v2  }
0x36: {  	v3 =	vld [tilespmem:s14+$0x0];
	_ =	sdelay $0x4  }
0x37: {  	vm15 =	vlt.s32 v3, $0x600  }
0x38: {  	p0 =	sne.s32 s13, $0xFF0;
	v3 =	vadd.s32 v1, v3  }
.Ltmp1:
0x39: {  	_ = 	snop;
	(pc) =	sbr.rel @p0 .LBB2_5-.Ltmp1, $2  }
0x3a: {  	_ =	sdelay $0x2  }
0x3b: {  	s11 =	sadd.s32 $0x1, s11;
	s13 =	sadd.s32 $0x10, s13;
	s12 =	sadd.s32 $0x80, s12;
	[tilespmem:v3+s7+$0x0] =	vst.idx.add.s32.msk vm15, v2  }
0x3c: {  	s10 =	sadd.s32 $0x1, s10  }
0x3d: {  	p0 =	sne.s32 s10, $0x4  }
.Ltmp2:
0x3e: {  	_ = 	snop;
	(pc) =	sbr.rel @p0 .LBB2_4-.Ltmp2, $1  }
0x3f: {  	_ =	sdelay $0x3  }
0x40: {  	s8 =	sadd.s32 $0x1, s8  }
0x41: {  	p0 =	sne.s32 s8, s5  }
.Ltmp3:
0x42: {  	_ = 	snop;
	(pc) =	sbr.rel @p0 .LBB2_1-.Ltmp3, $4  }
0x43: {  	[hbm4b:s4+s2] =	stream.linear.scatter [tilespmem:s7], [sflag:$0x1], $0x6100, $0x38;
	[tilespmem:$0xE100] =	vst v63  }
0x44: {  	_ =	swait.ge [sflag:s6], $0x6100  }
0x45: {  	[sflag:s6] =	ssyncset.done $0x0  }
0x46: {  	[sflag:s6] =	ssyncadd.s32 $0xFFFF9F00  }
0x47: {  	_ =	sfence.sel $0x180000  }
0x48: {  	[bflag:$0x0] =	sbarrier.arrive $0xFFFF  }
0x49: {  	p0 =	sne.s32 s0, $0x0;
	_ =	strace $0x90000047  }
0x4a: {  	s0 =	sadd.s32 @!p0 $0x100000, s1;
	[bflag:$0x2] =	sbarrier.arrive $0xFFFF  }
0x4b: {  	[sflag:s0] =	ssyncadd.tile.s32 @!p0 $0x1;
	_ =	shalt  }
.Lfunc_end2:
_tile_overlayer_lowered:
.L_overlay_start_2:
0x4c: {  	(tag) =	ssettag $0x2  }
0x4d: {  	s0 =	rddreg [dreg:$0x0];
	s2 =	stileid.u32  }
0x4e: {  	s1 =	rddreg [dreg:$0x1];
	p0 =	sne.s32 s2, $0x0  }
0x4f: {  	s3 =	rddreg [dreg:$0x2];
	[bflag:$0x3] =	sbarrier.arrive $0xFFFF;
	s2 =	simm.s32 @!p0 $0x1C01  }
0x50: {  	[timem:s3], [sflag:s2] =	dma.local @!p0 [hbm:s0], s1  }
0x51: {  	s0 =	simm.s32 @!p0 $0x1  }
0x52: {  	_ =	swait.ge @!p0 [sflag:s0], s1  }
0x53: {  	s1 =	ssub.s32 @!p0 $0x0, s1;
	[sflag:s0] =	ssyncset.done @!p0 $0x0  }
0x54: {  	[sflag:s0] =	ssyncadd.s32 @!p0 s1  }
0x55: {  	[bflag:$0x3] =	sbarrier.arrive $0xFFFF  }
0x56: {  	_ =	shalt  }

// kernel: kernel.17.cloned.1.call-start
scs
__scs_entry_jumppad:
0x0: {  	(pc) =	sbr.rel $0x88, $3  }
0x1: {  	(tag) =	ssettag $0x0;
	lr =	simm.s32 $0x1  }
0x2: {  	[smem:$0x3F9B] =	sst lr;
	_ =	strace $0xD0000000  }
0x3: {  	_ = 	snop  }
0x4: {  	_ = 	snop  }
0x5: {  	_ = 	snop  }
0x6: {  	_ = 	snop  }
0x7: {  	_ = 	snop  }
__scs_overlays_trampoline_lowered:
0x8: {  	[smem:$0x3FAA] =	sst s0  }
0x9: {  	[smem:$0x3FAB] =	sst s1  }
0xa: {  	[smem:$0x3FAC] =	sst s2  }
0xb: {  	[smem:$0x3FAD] =	sst s3  }
0xc: {  	[smem:$0x3FAE] =	sst s4  }
0xd: {  	[smem:$0x3FAF] =	sst s5  }
0xe: {  	[smem:$0x3FB0] =	sst s6  }
0xf: {  	[smem:$0x3FB1] =	sst s7  }
0x10: {  	[smem:$0x3FB2] =	sst s8  }
0x11: {  	[smem:$0x3FB3] =	sst s9;
	s0 =	simm.s32 @!p0 $0x0  }
0x12: {  	s1 =	sld [smem:$0x3F99];
	s0 =	simm.s32 @p0 $0x1  }
0x13: {  	[smem:$0x3FB4] =	sst s0;
	s0 =	simm.s32 @!p1 $0x0  }
0x14: {  	s2 =	sld [smem:$0x3F98];
	s0 =	simm.s32 @p1 $0x1  }
0x15: {  	[smem:$0x3FB5] =	sst s0;
	s0 =	simm.s32 @!p2 $0x0  }
0x16: {  	s3 =	sld [smem:$0x3FDB];
	s0 =	simm.s32 @p2 $0x1  }
0x17: {  	s4 =	simm.s32 $0x1BF5;
	[smem:$0x3FB7] =	sst s0  }
0x18: {  	s0 =	sld [smem:$0x3F9A];
	_ =	swait.ge [sflag:s4], $0x0  }
0x19: {  	s7 =	sld [smem:$0x3F9B]  }
0x1a: {  	s8 =	sadd.s32 $0xFFFFE003, lr  }
0x1b: {  	s9 =	sadd.s32 $0xFFFFFEF7, lr;
	s5 =	simm.s32 $0xFFFFFFFF;
	p2 =	slt.u32 s8, $0xFFFFF086  }
0x1c: {  	p1 =	slt.u32 s9, $0xF7A;
	s5 =	simm.s32 @!p2 $0x0  }
0x1d: {  	s5 =	simm.s32 @p1 $0x1;
	p0 =	seq.s32 s7, s2  }
0x1e: {  	s7 =	smul.u32 @!p0 $0xF7A, s2;
	p2 =	seq.s32 @!p0 s5, $0x0  }
0x1f: {  	s9 =	smul.u32 $0xF7A, s1;
	s8 =	simm.s32 @!p0 $0x1BF5;
	p2 =	por !p2, p0  }
0x20: {  	[sflag:s8] =	ssyncset.s32 @!p0 $0xFFFFF086;
	s6 =	sadd.s32 @!p0 s3, s7;
	s7 =	simm.s32 @!p0 $0x108  }
0x21: {  	s3 =	sadd.s32 s3, s9;
	s6 =	sadd.s32 @!p0 $0x88, s6;
	s7 =	simm.s32 @p2 $0x1082  }
0x22: {  	[simem:s7], [sflag:s8] =	dma.local @!p0 [hbm:s6], $0xF7A  }
0x23: {  	s9 =	sor.u32 $0xD0000000, s2;
	s6 =	simm.s32 $0x108;
	_ =	swait.ge @!p0 [sflag:s8], $0x0  }
0x24: {  	s3 =	sadd.s32 $0x88, s3;
	s6 =	simm.s32 @!p1 $0x1082;
	[sflag:s4] =	ssyncset.s32 $0xFFFFF086  }
0x25: {  	[simem:s6], [sflag:s4] =	dma.local [hbm:s3], $0xF7A  }
0x26: {  	[smem:$0x3F9B] =	sst s1;
	(tag) =	ssettag s2;
	_ =	strace s9  }
0x27: {  	s1 =	sld [smem:$0x3FAB]  }
0x28: {  	s2 =	sld [smem:$0x3FAC]  }
0x29: {  	s4 =	sld [smem:$0x3FAE]  }
0x2a: {  	p0 =	seq.s32 s5, $0x0;
	s5 =	sld [smem:$0x3FAF]  }
0x2b: {  	s6 =	sld [smem:$0x3FB0]  }
0x2c: {  	s7 =	sld [smem:$0x3FB1]  }
0x2d: {  	s3 =	simm.s32 $0x108;
	s8 =	sld [smem:$0x3FB2]  }
0x2e: {  	s3 =	simm.s32 @!p0 $0x1082;
	s9 =	sld [smem:$0x3FB3]  }
0x2f: {  	lr =	sadd.s32 s0, s3;
	s0 =	sld [smem:$0x3FAA]  }
0x30: {  	s3 =	sld [smem:$0x3FAD]  }
0x31: {  	[smem:$0x3FB6] =	sst s10  }
0x32: {  	s10 =	sld [smem:$0x3FB4];
	_ =	sdelay $0x3  }
0x33: {  	p0 =	seq.s32 s10, $0x1;
	s10 =	sld [smem:$0x3FB6];
	_ =	sdelay $0x3  }
0x34: {  	[smem:$0x3FB6] =	sst s10  }
0x35: {  	s10 =	sld [smem:$0x3FB5];
	_ =	sdelay $0x3  }
0x36: {  	p1 =	seq.s32 s10, $0x1;
	s10 =	sld [smem:$0x3FB6];
	_ =	sdelay $0x3  }
0x37: {  	[smem:$0x3FB6] =	sst s10  }
0x38: {  	s10 =	sld [smem:$0x3FB7]  }
0x39: {  	_ = 	snop;
	(pc) =	sbr.ind lr, $3  }
0x3a: {  	_ = 	snop  }
0x3b: {  	_ = 	snop  }
0x3c: {  	p2 =	seq.s32 s10, $0x1;
	s10 =	sld [smem:$0x3FB6]  }
0x3d: {  	_ =	shalt  }
0x3e: {  	_ =	shalt  }
0x3f: {  	_ =	shalt  }
0x40: {  	_ =	shalt  }
0x41: {  	_ =	shalt  }
0x42: {  	_ =	shalt  }
0x43: {  	_ =	shalt  }
0x44: {  	_ =	shalt  }
0x45: {  	_ =	shalt  }
0x46: {  	_ =	shalt  }
0x47: {  	_ =	shalt  }
0x48: {  	_ =	shalt  }
0x49: {  	_ =	shalt  }
0x4a: {  	_ =	shalt  }
0x4b: {  	_ =	shalt  }
0x4c: {  	_ =	shalt  }
0x4d: {  	_ =	shalt  }
0x4e: {  	_ =	shalt  }
0x4f: {  	_ =	shalt  }
0x50: {  	_ =	shalt  }
0x51: {  	_ =	shalt  }
0x52: {  	_ =	shalt  }
0x53: {  	_ =	shalt  }
0x54: {  	_ =	shalt  }
0x55: {  	_ =	shalt  }
0x56: {  	_ =	shalt  }
0x57: {  	_ =	shalt  }
0x58: {  	_ =	shalt  }
0x59: {  	_ =	shalt  }
0x5a: {  	_ =	shalt  }
0x5b: {  	_ =	shalt  }
0x5c: {  	_ =	shalt  }
0x5d: {  	_ =	shalt  }
0x5e: {  	_ =	shalt  }
0x5f: {  	_ =	shalt  }
0x60: {  	_ =	shalt  }
0x61: {  	_ =	shalt  }
0x62: {  	_ =	shalt  }
0x63: {  	_ =	shalt  }
0x64: {  	_ =	shalt  }
0x65: {  	_ =	shalt  }
0x66: {  	_ =	shalt  }
0x67: {  	_ =	shalt  }
0x68: {  	_ =	shalt  }
0x69: {  	_ =	shalt  }
0x6a: {  	_ =	shalt  }
0x6b: {  	_ =	shalt  }
0x6c: {  	_ =	shalt  }
0x6d: {  	_ =	shalt  }
0x6e: {  	_ =	shalt  }
0x6f: {  	_ =	shalt  }
0x70: {  	_ =	shalt  }
0x71: {  	_ =	shalt  }
0x72: {  	_ =	shalt  }
0x73: {  	_ =	shalt  }
0x74: {  	_ =	shalt  }
0x75: {  	_ =	shalt  }
0x76: {  	_ =	shalt  }
0x77: {  	_ =	shalt  }
0x78: {  	_ =	shalt  }
0x79: {  	_ =	shalt  }
0x7a: {  	_ =	shalt  }
0x7b: {  	_ =	shalt  }
0x7c: {  	_ =	shalt  }
0x7d: {  	_ =	shalt  }
0x7e: {  	_ =	shalt  }
0x7f: {  	_ =	shalt  }
0x80: {  	_ =	shalt  }
0x81: {  	_ =	shalt  }
0x82: {  	_ =	shalt  }
0x83: {  	_ =	shalt  }
0x84: {  	_ =	shalt  }
0x85: {  	_ =	shalt  }
0x86: {  	_ =	shalt  }
0x87: {  	_ =	shalt  }
.Lfunc_end0:
.L_simem_size_0:
called_computation.2_lowered:
.L_overlay_start_0:
0x88: {  	s2 =	sld [smem:$0x3FD9]  }
0x89: {  	s3 =	sld [smem:$0x3FFE];
	_ =	sdelay $0x1  }
0x8a: {  	s1 =	srdreg.scid  }
0x8b: {  	s0 =	sand.u32 $0x1, s1  }
0x8c: {  	s17 =	sshll.u32 s0, $0xA;
	s2 =	sadd.s32 s3, s2  }
0x8d: {  	s2 =	sadd.s32 s2, s17  }
0x8e: {  	[smem:$0x3FC2] =	sst s2  }
0x8f: {  	_ = 	snop  }
0x90: {  	(tm) =	ssettm $0x1  }
0x91: {  	s18 =	sld [smem:$0x3FFB];
	_ =	sdelay $0x3  }
0x92: {  	_ =	strace s18  }
0x93: {  	s2 =	sld [smem:$0x3FFC];
	_ =	sdelay $0x3  }
0x94: {  	_ =	strace s2  }
0x95: {  	s2 =	sld [smem:$0x3FFD];
	_ =	sdelay $0x3  }
0x96: {  	_ =	strace s2  }
0x97: {  	_ =	strace $0x8FFFFFFF  }
0x98: {  	s19 =	sld [smem:$0x3FDB];
	_ =	sdelay $0x1  }
0x99: {  	s20 =	simm.s32 $_scs_section_size  }
0x9a: {  	s4 =	simm.s32 $_size__tile_overlayer_lowered;
	s5 =	simm.s32 $_tile_overlayer_lowered  }
0x9b: {  	s6 =	simm.s32 $0x1BFF;
	s21 =	sshll.u32 s5, $0x1;
	s3 =	sadd.s32 s20, s19  }
0x9c: {  	s22 =	simm.s32 $0x0;
	s4 =	sshll.u32 s4, $0x1;
	s5 =	sadd.s32 s21, s3  }
0x9d: {  	[timem:s22], [sflag:s6] =	dma.local [hbm:s5], s4  }
0x9e: {  	_ =	swait.ge [sflag:s6], s4  }
0x9f: {  	s4 =	ssub.s32 $0x0, s4;
	[sflag:s6] =	ssyncset.done $0x0  }
0xa0: {  	[sflag:s6] =	ssyncadd.s32 s4;
	_ =	sdelay $0x1  }
0xa1: {  	s23 =	simm.s32 $0x1B8B  }
0xa2: {  	_ =	swait.ge [sflag:s23], $0x1  }
0xa3: {  	[sflag:s23] =	ssyncset.done $0x0  }
0xa4: {  	[sflag:s23] =	ssyncadd.s32 $0xFFFFFFFF  }
0xa5: {  	s4 =	sld [smem:$0x0]  }
0xa6: {  	s5 =	sand.u32 $0xFFFFFFFE, s1  }
0xa7: {  	p0 =	sne.s32 s1, s5  }
0xa8: {  	s5 =	sshll.u32 @p0 s5, $0xE  }
0xa9: {  	s5 =	sadd.s32 @p0 $0x11B8D, s5;
	s6 =	sshll.u32 @p0 s4, $0x11  }
0xaa: {  	s5 =	sor.u32 @p0 s6, s5  }
0xab: {  	[sflag:s5] =	ssyncadd.remote.s32 @p0 $0x1;
	_ =	sdelay $0x1  }
0xac: {  	s5 =	simm.s32 @p0 $0x1B8D  }
0xad: {  	_ =	swait.eq @p0 [sflag:s5], $0x1  }
0xae: {  	[sflag:s5] =	ssyncadd.s32 @p0 $0xFFFFFFFF  }
0xaf: {  	s6 =	sshll.u32 @!p0 s1, $0xE  }
0xb0: {  	s6 =	sor.u32 @!p0 $0x4000, s6;
	s5 =	simm.s32 @!p0 $0x1B8D  }
0xb1: {  	s4 =	sshll.u32 @!p0 s4, $0x11;
	s6 =	sadd.s32 @!p0 $0x11B8D, s6;
	_ =	swait.eq @!p0 [sflag:s5], $0x1  }
0xb2: {  	s4 =	sor.u32 @!p0 s4, s6;
	[sflag:s5] =	ssyncadd.s32 @!p0 $0xFFFFFFFF  }
0xb3: {  	s25 =	simm.s32 $0x1B8E;
	s24 =	sld [smem:$0x3FFE];
	[sflag:s4] =	ssyncadd.remote.s32 @!p0 $0x1  }
0xb4: {  	s26 =	simm.s32 $execute0_lowered;
	[smem:$0x3FD2] =	sst s25  }
0xb5: {  	s5 =	sshll.u32 s26, $0x1;
	_ =	strace $0x80000049;
	[dreg:$0x1] =	wrdreg $0xFFFFFFFF  }
0xb6: {  	s28 =	simm.s32 $_size_execute0_lowered;
	s3 =	sadd.s32 s3, s5;
	[dreg:$0x0] =	wrdreg $0x0  }
0xb7: {  	s5 =	sshll.u32 s28, $0x1;
	[dreg:$0x2] =	wrdreg s3  }
0xb8: {  	[dreg:$0x3] =	wrdreg s5  }
0xb9: {  	[dreg:$0x4] =	wrdreg $0xC0  }
0xba: {  	_ =	task [dreg:s22], $0x5FFFF  }
0xbb: {  	[dreg:$0x1] =	wrdreg $0xFFFFFFFF  }
0xbc: {  	[dreg:$0x0] =	wrdreg $0x60  }
0xbd: {  	[dreg:$0x2] =	wrdreg s24  }
0xbe: {  	[dreg:$0x3] =	wrdreg $0xB  }
0xbf: {  	_ =	task.clear_ibuf [dreg:s22], $0x4FFFF;
	_ =	strace $0x90000049  }
0xc0: {  	s29 =	simm.s32 $0xB;
	_ =	strace $0x8000004B  }
0xc1: {  	_ =	swait.ge [sflag:s29], $0x1  }
0xc2: {  	[sflag:s29] =	ssyncadd.s32 $0xFFFFFFFF  }
0xc3: {  	_ =	strace $0x9000004B  }
0xc4: {  	_ =	sfence  }
0xc5: {  	s30 =	sld [smem:$0x0];
	_ =	sdelay $0x2  }
0xc6: {  	s31 =	sshll.u32 s1, $0xD;
	s1 =	sshrl.u32 s1, $0x2  }
0xc7: {  	s4 =	sand.u32 $0x4000, s31;
	s1 =	sadd.s32 s1, s30  }
0xc8: {  	s0 =	sor.u32 s4, s0;
	s1 =	sshll.u32 s1, $0x11  }
0xc9: {  	s0 =	sor.u32 s1, s0  }
0xca: {  	s0 =	sadd.s32 $0x8F2B, s0  }
0xcb: {  	[sflag:s0] =	ssyncadd.remote.s32 $0x1  }
0xcc: {  	_ =	sfence.sel $0xFFFF  }
0xcd: {  	[dreg:$0x0] =	wrdreg $0xFFFFFFFF;
	(pc) =	sbr.abs _section_cstart, $3  }
0xce: {  	[dreg:$0x1] =	wrdreg $0xFFFFFFFF  }
0xcf: {  	_ =	task.clear_ibuf [dreg:s22], $0x2FFFF;
	_ =	strace $0x9FFFFFFF  }
0xd0: {  	(tm) =	ssettm $0x7FFFFFFF  }
0xd1: {  	_ =	shalt  }
tec
execute0_lowered:
.L_overlay_start_1:
0x0: {  	(tag) =	ssettag $0x1  }
0x1: {  	s1 =	srdreg.scid;
	s0 =	stileid.u32  }
0x2: {  	s3 =	rddreg [dreg:$0x0];
	s2 =	simm.s32 $0x0;
	s8 =	simm.s32 $0x0  }
0x3: {  	s4 =	sand.u32 $0x1, s1;
	s5 =	sshll.u32 s0, $0x1;
	s1 =	rddreg [dreg:$0x1]  }
0x4: {  	[smem:$0x7FF] =	sst s2;
	s5 =	sor.u32 s4, s5;
	s4 =	ssub.s32 $0x2, s4  }
0x5: {  	s6 =	smul.u32 $0xC20, s5;
	s5 =	sshll.u32 s5, $0xE;
	s7 =	sshrl.u32 s4, $0x1  }
0x6: {  	_ =	strace $0x8000004A;
	s5 =	sadd.s32 s5, s3;
	s7 =	ssub.s32 s4, s7  }
0x7: {  	v1 =	vlaneseq.u32;
	s6 =	sadd.s32 s6, s3;
	s3 =	sadd.s32 $0x9BA00, s5;
	s5 =	smax.u32 s7, $0x1  }
0x8: {  	v0 =	vimm.s32 $0x0;
	v2 =	vimm.s32 $0x1;
	v1 =	vmul.u32 $0x610, v1;
	s7 =	simm.s32 $0x8000;
	s4 =	sadd.s32 $0x11BA00, s6;
	s6 =	simm.s32 $0x1  }
.LBB2_1:
0x9: {  	s9 =	simm.s32 $0x40;
	s10 =	simm.s32 $0x0  }
.LBB2_2:
0xa: {  	p0 =	sne.s32 s9, $0x183C0;
	[tilespmem:s10+$0x8000] =	vst v0;
	s10 =	smov.u32 s9;
	s9 =	sadd.s32 $0x40, s9  }
.Ltmp0:
0xb: {  	(pc) =	sbr.rel @p0 .LBB2_2-.Ltmp0, $2  }
0xc: {  	_ =	sdelay $0x2  }
0xd: {  	s10 =	sshra.s32 s10, $0x2  }
0xe: {  	[tilespmem:s10+$0x8000] =	vst v0;
	s9 =	simm.s32 $0x0;
	s10 =	simm.s32 $0x0  }
.LBB2_4:
0xf: {  	s11 =	sshll.u32 s10, $0xC  }
0x10: {  	s11 =	sadd.s32 s11, s3  }
0x11: {  	[tilespmem:s9], [sflag:$0x1] =	stream.linear.gather [hbm4b:s11+s9], $0x8000, $0x38;
	[tilespmem:$0xE100] =	vst v63  }
0x12: {  	_ =	swait.ge [sflag:s6], $0x8000  }
0x13: {  	s12 =	simm.s32 $0x0;
	[sflag:s6] =	ssyncset.done $0x0  }
0x14: {  	s13 =	simm.s32 $0x0;
	s11 =	simm.s32 $0x0;
	[sflag:s6] =	ssyncadd.s32 $0xFFFF8000  }
.LBB2_5:
0x15: {  	s14 =	sand.u32 $0x70, s13;
	s15 =	sand.u32 $0x7C00, s12  }
0x16: {  	s14 =	sor.u32 s14, s15  }
0x17: {  	v3 =	vld [tilespmem:s14+$0x0];
	_ =	sdelay $0x4  }
0x18: {  	vm0 =	vlt.s32 v3, $0x600  }
0x19: {  	v3 =	vadd.s32 v1, v3;
	_ =	sdelay $0x4  }
0x1a: {  	[tilespmem:v3+s7+$0x0] =	vst.idx.add.s32.msk vm0, v2  }
0x1b: {  	v3 =	vld [tilespmem:s14+$0x80];
	_ =	sdelay $0x4  }
0x1c: {  	vm9 =	vlt.s32 v3, $0x600  }
0x1d: {  	v3 =	vadd.s32 v1, v3;
	_ =	sdelay $0x4  }
0x1e: {  	[tilespmem:v3+s7+$0x0] =	vst.idx.add.s32.msk vm9, v2  }
0x1f: {  	v3 =	vld [tilespmem:s14+$0x100];
	_ =	sdelay $0x4  }
0x20: {  	vm10 =	vlt.s32 v3, $0x600  }
0x21: {  	v3 =	vadd.s32 v1, v3;
	_ =	sdelay $0x4  }
0x22: {  	[tilespmem:v3+s7+$0x0] =	vst.idx.add.s32.msk vm10, v2  }
0x23: {  	v3 =	vld [tilespmem:s14+$0x180];
	_ =	sdelay $0x4  }
0x24: {  	vm11 =	vlt.s32 v3, $0x600  }
0x25: {  	v3 =	vadd.s32 v1, v3;
	_ =	sdelay $0x4  }
0x26: {  	[tilespmem:v3+s7+$0x0] =	vst.idx.add.s32.msk vm11, v2  }
0x27: {  	v3 =	vld [tilespmem:s14+$0x200];
	_ =	sdelay $0x4  }
0x28: {  	vm12 =	vlt.s32 v3, $0x600  }
0x29: {  	v3 =	vadd.s32 v1, v3;
	_ =	sdelay $0x4  }
0x2a: {  	[tilespmem:v3+s7+$0x0] =	vst.idx.add.s32.msk vm12, v2  }
0x2b: {  	v3 =	vld [tilespmem:s14+$0x280];
	_ =	sdelay $0x4  }
0x2c: {  	vm13 =	vlt.s32 v3, $0x600  }
0x2d: {  	v3 =	vadd.s32 v1, v3;
	_ =	sdelay $0x4  }
0x2e: {  	[tilespmem:v3+s7+$0x0] =	vst.idx.add.s32.msk vm13, v2  }
0x2f: {  	v3 =	vld [tilespmem:s14+$0x300];
	_ =	sdelay $0x4  }
0x30: {  	vm14 =	vlt.s32 v3, $0x600  }
0x31: {  	v3 =	vadd.s32 v1, v3;
	_ =	sdelay $0x1  }
0x32: {  	s31 =	sand.u32 $0x7, s11  }
0x33: {  	s14 =	sshll.u32 s31, $0x4  }
0x34: {  	s14 =	sadd.s32 s14, s12  }
0x35: {  	s14 =	sor.u32 $0x380, s14;
	[tilespmem:v3+s7+$0x0] =	vst.idx.add.s32.msk vm14, v2  }
0x36: {  	v3 =	vld [tilespmem:s14+$0x0];
	_ =	sdelay $0x4  }
0x37: {  	vm15 =	vlt.s32 v3, $0x600  }
0x38: {  	p0 =	sne.s32 s13, $0xFF0;
	v3 =	vadd.s32 v1, v3  }
.Ltmp1:
0x39: {  	_ = 	snop;
	(pc) =	sbr.rel @p0 .LBB2_5-.Ltmp1, $2  }
0x3a: {  	_ =	sdelay $0x2  }
0x3b: {  	s11 =	sadd.s32 $0x1, s11;
	s13 =	sadd.s32 $0x10, s13;
	s12 =	sadd.s32 $0x80, s12;
	[tilespmem:v3+s7+$0x0] =	vst.idx.add.s32.msk vm15, v2  }
0x3c: {  	s10 =	sadd.s32 $0x1, s10  }
0x3d: {  	p0 =	sne.s32 s10, $0x4  }
.Ltmp2:
0x3e: {  	_ = 	snop;
	(pc) =	sbr.rel @p0 .LBB2_4-.Ltmp2, $1  }
0x3f: {  	_ =	sdelay $0x3  }
0x40: {  	s8 =	sadd.s32 $0x1, s8  }
0x41: {  	p0 =	sne.s32 s8, s5  }
.Ltmp3:
0x42: {  	_ = 	snop;
	(pc) =	sbr.rel @p0 .LBB2_1-.Ltmp3, $4  }
0x43: {  	[hbm4b:s4+s2] =	stream.linear.scatter [tilespmem:s7], [sflag:$0x1], $0x6100, $0x38;
	[tilespmem:$0xE100] =	vst v63  }
0x44: {  	_ =	swait.ge [sflag:s6], $0x6100  }
0x45: {  	[sflag:s6] =	ssyncset.done $0x0  }
0x46: {  	[sflag:s6] =	ssyncadd.s32 $0xFFFF9F00  }
0x47: {  	_ =	sfence.sel $0x180000  }
0x48: {  	[bflag:$0x0] =	sbarrier.arrive $0xFFFF  }
0x49: {  	p0 =	sne.s32 s0, $0x0;
	_ =	strace $0x9000004A  }
0x4a: {  	s0 =	sadd.s32 @!p0 $0x100000, s1;
	[bflag:$0x2] =	sbarrier.arrive $0xFFFF  }
0x4b: {  	[sflag:s0] =	ssyncadd.tile.s32 @!p0 $0x1;
	_ =	shalt  }
.Lfunc_end2:
_tile_overlayer_lowered:
.L_overlay_start_2:
0x4c: {  	(tag) =	ssettag $0x2  }
0x4d: {  	s0 =	rddreg [dreg:$0x0];
	s2 =	stileid.u32  }
0x4e: {  	s1 =	rddreg [dreg:$0x1];
	p0 =	sne.s32 s2, $0x0  }
0x4f: {  	s3 =	rddreg [dreg:$0x2];
	[bflag:$0x3] =	sbarrier.arrive $0xFFFF;
	s2 =	simm.s32 @!p0 $0x1C01  }
0x50: {  	[timem:s3], [sflag:s2] =	dma.local @!p0 [hbm:s0], s1  }
0x51: {  	s0 =	simm.s32 @!p0 $0x1  }
0x52: {  	_ =	swait.ge @!p0 [sflag:s0], s1  }
0x53: {  	s1 =	ssub.s32 @!p0 $0x0, s1;
	[sflag:s0] =	ssyncset.done @!p0 $0x0  }
0x54: {  	[sflag:s0] =	ssyncadd.s32 @!p0 s1  }
0x55: {  	[bflag:$0x3] =	sbarrier.arrive $0xFFFF  }
0x56: {  	_ =	shalt  }

// kernel: kernel.20.cloned.1.call-start
scs
__scs_entry_jumppad:
0x0: {  	(pc) =	sbr.rel $0x88, $3  }
0x1: {  	(tag) =	ssettag $0x0;
	lr =	simm.s32 $0x1  }
0x2: {  	[smem:$0x3F9B] =	sst lr;
	_ =	strace $0xD0000000  }
0x3: {  	_ = 	snop  }
0x4: {  	_ = 	snop  }
0x5: {  	_ = 	snop  }
0x6: {  	_ = 	snop  }
0x7: {  	_ = 	snop  }
__scs_overlays_trampoline_lowered:
0x8: {  	[smem:$0x3FAA] =	sst s0  }
0x9: {  	[smem:$0x3FAB] =	sst s1  }
0xa: {  	[smem:$0x3FAC] =	sst s2  }
0xb: {  	[smem:$0x3FAD] =	sst s3  }
0xc: {  	[smem:$0x3FAE] =	sst s4  }
0xd: {  	[smem:$0x3FAF] =	sst s5  }
0xe: {  	[smem:$0x3FB0] =	sst s6  }
0xf: {  	[smem:$0x3FB1] =	sst s7  }
0x10: {  	[smem:$0x3FB2] =	sst s8  }
0x11: {  	[smem:$0x3FB3] =	sst s9;
	s0 =	simm.s32 @!p0 $0x0  }
0x12: {  	s1 =	sld [smem:$0x3F99];
	s0 =	simm.s32 @p0 $0x1  }
0x13: {  	[smem:$0x3FB4] =	sst s0;
	s0 =	simm.s32 @!p1 $0x0  }
0x14: {  	s2 =	sld [smem:$0x3F98];
	s0 =	simm.s32 @p1 $0x1  }
0x15: {  	[smem:$0x3FB5] =	sst s0;
	s0 =	simm.s32 @!p2 $0x0  }
0x16: {  	s3 =	sld [smem:$0x3FDB];
	s0 =	simm.s32 @p2 $0x1  }
0x17: {  	s4 =	simm.s32 $0x1BF5;
	[smem:$0x3FB7] =	sst s0  }
0x18: {  	s0 =	sld [smem:$0x3F9A];
	_ =	swait.ge [sflag:s4], $0x0  }
0x19: {  	s7 =	sld [smem:$0x3F9B]  }
0x1a: {  	s8 =	sadd.s32 $0xFFFFE003, lr  }
0x1b: {  	s9 =	sadd.s32 $0xFFFFFEF7, lr;
	s5 =	simm.s32 $0xFFFFFFFF;
	p2 =	slt.u32 s8, $0xFFFFF086  }
0x1c: {  	p1 =	slt.u32 s9, $0xF7A;
	s5 =	simm.s32 @!p2 $0x0  }
0x1d: {  	s5 =	simm.s32 @p1 $0x1;
	p0 =	seq.s32 s7, s2  }
0x1e: {  	s7 =	smul.u32 @!p0 $0xF7A, s2;
	p2 =	seq.s32 @!p0 s5, $0x0  }
0x1f: {  	s9 =	smul.u32 $0xF7A, s1;
	s8 =	simm.s32 @!p0 $0x1BF5;
	p2 =	por !p2, p0  }
0x20: {  	[sflag:s8] =	ssyncset.s32 @!p0 $0xFFFFF086;
	s6 =	sadd.s32 @!p0 s3, s7;
	s7 =	simm.s32 @!p0 $0x108  }
0x21: {  	s3 =	sadd.s32 s3, s9;
	s6 =	sadd.s32 @!p0 $0x88, s6;
	s7 =	simm.s32 @p2 $0x1082  }
0x22: {  	[simem:s7], [sflag:s8] =	dma.local @!p0 [hbm:s6], $0xF7A  }
0x23: {  	s9 =	sor.u32 $0xD0000000, s2;
	s6 =	simm.s32 $0x108;
	_ =	swait.ge @!p0 [sflag:s8], $0x0  }
0x24: {  	s3 =	sadd.s32 $0x88, s3;
	s6 =	simm.s32 @!p1 $0x1082;
	[sflag:s4] =	ssyncset.s32 $0xFFFFF086  }
0x25: {  	[simem:s6], [sflag:s4] =	dma.local [hbm:s3], $0xF7A  }
0x26: {  	[smem:$0x3F9B] =	sst s1;
	(tag) =	ssettag s2;
	_ =	strace s9  }
0x27: {  	s1 =	sld [smem:$0x3FAB]  }
0x28: {  	s2 =	sld [smem:$0x3FAC]  }
0x29: {  	s4 =	sld [smem:$0x3FAE]  }
0x2a: {  	p0 =	seq.s32 s5, $0x0;
	s5 =	sld [smem:$0x3FAF]  }
0x2b: {  	s6 =	sld [smem:$0x3FB0]  }
0x2c: {  	s7 =	sld [smem:$0x3FB1]  }
0x2d: {  	s3 =	simm.s32 $0x108;
	s8 =	sld [smem:$0x3FB2]  }
0x2e: {  	s3 =	simm.s32 @!p0 $0x1082;
	s9 =	sld [smem:$0x3FB3]  }
0x2f: {  	lr =	sadd.s32 s0, s3;
	s0 =	sld [smem:$0x3FAA]  }
0x30: {  	s3 =	sld [smem:$0x3FAD]  }
0x31: {  	[smem:$0x3FB6] =	sst s10  }
0x32: {  	s10 =	sld [smem:$0x3FB4];
	_ =	sdelay $0x3  }
0x33: {  	p0 =	seq.s32 s10, $0x1;
	s10 =	sld [smem:$0x3FB6];
	_ =	sdelay $0x3  }
0x34: {  	[smem:$0x3FB6] =	sst s10  }
0x35: {  	s10 =	sld [smem:$0x3FB5];
	_ =	sdelay $0x3  }
0x36: {  	p1 =	seq.s32 s10, $0x1;
	s10 =	sld [smem:$0x3FB6];
	_ =	sdelay $0x3  }
0x37: {  	[smem:$0x3FB6] =	sst s10  }
0x38: {  	s10 =	sld [smem:$0x3FB7]  }
0x39: {  	_ = 	snop;
	(pc) =	sbr.ind lr, $3  }
0x3a: {  	_ = 	snop  }
0x3b: {  	_ = 	snop  }
0x3c: {  	p2 =	seq.s32 s10, $0x1;
	s10 =	sld [smem:$0x3FB6]  }
0x3d: {  	_ =	shalt  }
0x3e: {  	_ =	shalt  }
0x3f: {  	_ =	shalt  }
0x40: {  	_ =	shalt  }
0x41: {  	_ =	shalt  }
0x42: {  	_ =	shalt  }
0x43: {  	_ =	shalt  }
0x44: {  	_ =	shalt  }
0x45: {  	_ =	shalt  }
0x46: {  	_ =	shalt  }
0x47: {  	_ =	shalt  }
0x48: {  	_ =	shalt  }
0x49: {  	_ =	shalt  }
0x4a: {  	_ =	shalt  }
0x4b: {  	_ =	shalt  }
0x4c: {  	_ =	shalt  }
0x4d: {  	_ =	shalt  }
0x4e: {  	_ =	shalt  }
0x4f: {  	_ =	shalt  }
0x50: {  	_ =	shalt  }
0x51: {  	_ =	shalt  }
0x52: {  	_ =	shalt  }
0x53: {  	_ =	shalt  }
0x54: {  	_ =	shalt  }
0x55: {  	_ =	shalt  }
0x56: {  	_ =	shalt  }
0x57: {  	_ =	shalt  }
0x58: {  	_ =	shalt  }
0x59: {  	_ =	shalt  }
0x5a: {  	_ =	shalt  }
0x5b: {  	_ =	shalt  }
0x5c: {  	_ =	shalt  }
0x5d: {  	_ =	shalt  }
0x5e: {  	_ =	shalt  }
0x5f: {  	_ =	shalt  }
0x60: {  	_ =	shalt  }
0x61: {  	_ =	shalt  }
0x62: {  	_ =	shalt  }
0x63: {  	_ =	shalt  }
0x64: {  	_ =	shalt  }
0x65: {  	_ =	shalt  }
0x66: {  	_ =	shalt  }
0x67: {  	_ =	shalt  }
0x68: {  	_ =	shalt  }
0x69: {  	_ =	shalt  }
0x6a: {  	_ =	shalt  }
0x6b: {  	_ =	shalt  }
0x6c: {  	_ =	shalt  }
0x6d: {  	_ =	shalt  }
0x6e: {  	_ =	shalt  }
0x6f: {  	_ =	shalt  }
0x70: {  	_ =	shalt  }
0x71: {  	_ =	shalt  }
0x72: {  	_ =	shalt  }
0x73: {  	_ =	shalt  }
0x74: {  	_ =	shalt  }
0x75: {  	_ =	shalt  }
0x76: {  	_ =	shalt  }
0x77: {  	_ =	shalt  }
0x78: {  	_ =	shalt  }
0x79: {  	_ =	shalt  }
0x7a: {  	_ =	shalt  }
0x7b: {  	_ =	shalt  }
0x7c: {  	_ =	shalt  }
0x7d: {  	_ =	shalt  }
0x7e: {  	_ =	shalt  }
0x7f: {  	_ =	shalt  }
0x80: {  	_ =	shalt  }
0x81: {  	_ =	shalt  }
0x82: {  	_ =	shalt  }
0x83: {  	_ =	shalt  }
0x84: {  	_ =	shalt  }
0x85: {  	_ =	shalt  }
0x86: {  	_ =	shalt  }
0x87: {  	_ =	shalt  }
.Lfunc_end0:
.L_simem_size_0:
called_computation.3_lowered:
.L_overlay_start_0:
0x88: {  	s2 =	sld [smem:$0x3FD9]  }
0x89: {  	s3 =	sld [smem:$0x3FFE];
	_ =	sdelay $0x1  }
0x8a: {  	s1 =	srdreg.scid  }
0x8b: {  	s0 =	sand.u32 $0x1, s1  }
0x8c: {  	s17 =	sshll.u32 s0, $0xA;
	s2 =	sadd.s32 s3, s2  }
0x8d: {  	s2 =	sadd.s32 s2, s17  }
0x8e: {  	[smem:$0x3FC2] =	sst s2  }
0x8f: {  	_ = 	snop  }
0x90: {  	(tm) =	ssettm $0x1  }
0x91: {  	s18 =	sld [smem:$0x3FFB];
	_ =	sdelay $0x3  }
0x92: {  	_ =	strace s18  }
0x93: {  	s2 =	sld [smem:$0x3FFC];
	_ =	sdelay $0x3  }
0x94: {  	_ =	strace s2  }
0x95: {  	s2 =	sld [smem:$0x3FFD];
	_ =	sdelay $0x3  }
0x96: {  	_ =	strace s2  }
0x97: {  	_ =	strace $0x8FFFFFFF  }
0x98: {  	s19 =	sld [smem:$0x3FDB];
	_ =	sdelay $0x1  }
0x99: {  	s20 =	simm.s32 $_scs_section_size  }
0x9a: {  	s4 =	simm.s32 $_size__tile_overlayer_lowered;
	s5 =	simm.s32 $_tile_overlayer_lowered  }
0x9b: {  	s6 =	simm.s32 $0x1BFF;
	s21 =	sshll.u32 s5, $0x1;
	s3 =	sadd.s32 s20, s19  }
0x9c: {  	s22 =	simm.s32 $0x0;
	s4 =	sshll.u32 s4, $0x1;
	s5 =	sadd.s32 s21, s3  }
0x9d: {  	[timem:s22], [sflag:s6] =	dma.local [hbm:s5], s4  }
0x9e: {  	_ =	swait.ge [sflag:s6], s4  }
0x9f: {  	s4 =	ssub.s32 $0x0, s4;
	[sflag:s6] =	ssyncset.done $0x0  }
0xa0: {  	[sflag:s6] =	ssyncadd.s32 s4;
	_ =	sdelay $0x1  }
0xa1: {  	s23 =	simm.s32 $0x1B8B  }
0xa2: {  	_ =	swait.ge [sflag:s23], $0x1  }
0xa3: {  	[sflag:s23] =	ssyncset.done $0x0  }
0xa4: {  	[sflag:s23] =	ssyncadd.s32 $0xFFFFFFFF  }
0xa5: {  	s4 =	sld [smem:$0x0]  }
0xa6: {  	s5 =	sand.u32 $0xFFFFFFFE, s1  }
0xa7: {  	p0 =	sne.s32 s1, s5  }
0xa8: {  	s5 =	sshll.u32 @p0 s5, $0xE  }
0xa9: {  	s5 =	sadd.s32 @p0 $0x11B8D, s5;
	s6 =	sshll.u32 @p0 s4, $0x11  }
0xaa: {  	s5 =	sor.u32 @p0 s6, s5  }
0xab: {  	[sflag:s5] =	ssyncadd.remote.s32 @p0 $0x1;
	_ =	sdelay $0x1  }
0xac: {  	s5 =	simm.s32 @p0 $0x1B8D  }
0xad: {  	_ =	swait.eq @p0 [sflag:s5], $0x1  }
0xae: {  	[sflag:s5] =	ssyncadd.s32 @p0 $0xFFFFFFFF  }
0xaf: {  	s6 =	sshll.u32 @!p0 s1, $0xE  }
0xb0: {  	s6 =	sor.u32 @!p0 $0x4000, s6;
	s5 =	simm.s32 @!p0 $0x1B8D  }
0xb1: {  	s4 =	sshll.u32 @!p0 s4, $0x11;
	s6 =	sadd.s32 @!p0 $0x11B8D, s6;
	_ =	swait.eq @!p0 [sflag:s5], $0x1  }
0xb2: {  	s4 =	sor.u32 @!p0 s4, s6;
	[sflag:s5] =	ssyncadd.s32 @!p0 $0xFFFFFFFF  }
0xb3: {  	s25 =	simm.s32 $0x1B8E;
	s24 =	sld [smem:$0x3FFE];
	[sflag:s4] =	ssyncadd.remote.s32 @!p0 $0x1  }
0xb4: {  	s26 =	simm.s32 $execute0_lowered;
	[smem:$0x3FD2] =	sst s25  }
0xb5: {  	s5 =	sshll.u32 s26, $0x1;
	_ =	strace $0x8000004C;
	[dreg:$0x1] =	wrdreg $0xFFFFFFFF  }
0xb6: {  	s28 =	simm.s32 $_size_execute0_lowered;
	s3 =	sadd.s32 s3, s5;
	[dreg:$0x0] =	wrdreg $0x0  }
0xb7: {  	s5 =	sshll.u32 s28, $0x1;
	[dreg:$0x2] =	wrdreg s3  }
0xb8: {  	[dreg:$0x3] =	wrdreg s5  }
0xb9: {  	[dreg:$0x4] =	wrdreg $0xC0  }
0xba: {  	_ =	task [dreg:s22], $0x5FFFF  }
0xbb: {  	[dreg:$0x1] =	wrdreg $0xFFFFFFFF  }
0xbc: {  	[dreg:$0x0] =	wrdreg $0x60  }
0xbd: {  	[dreg:$0x2] =	wrdreg s24  }
0xbe: {  	[dreg:$0x3] =	wrdreg $0xC  }
0xbf: {  	_ =	task.clear_ibuf [dreg:s22], $0x4FFFF;
	_ =	strace $0x9000004C  }
0xc0: {  	s29 =	simm.s32 $0xC;
	_ =	strace $0x8000004E  }
0xc1: {  	_ =	swait.ge [sflag:s29], $0x1  }
0xc2: {  	[sflag:s29] =	ssyncadd.s32 $0xFFFFFFFF  }
0xc3: {  	_ =	strace $0x9000004E  }
0xc4: {  	_ =	sfence  }
0xc5: {  	s30 =	sld [smem:$0x0];
	_ =	sdelay $0x2  }
0xc6: {  	s31 =	sshll.u32 s1, $0xD;
	s1 =	sshrl.u32 s1, $0x2  }
0xc7: {  	s4 =	sand.u32 $0x4000, s31;
	s1 =	sadd.s32 s1, s30  }
0xc8: {  	s0 =	sor.u32 s4, s0;
	s1 =	sshll.u32 s1, $0x11  }
0xc9: {  	s0 =	sor.u32 s1, s0  }
0xca: {  	s0 =	sadd.s32 $0x8F2B, s0  }
0xcb: {  	[sflag:s0] =	ssyncadd.remote.s32 $0x1  }
0xcc: {  	_ =	sfence.sel $0xFFFF  }
0xcd: {  	[dreg:$0x0] =	wrdreg $0xFFFFFFFF;
	(pc) =	sbr.abs _section_cstart, $3  }
0xce: {  	[dreg:$0x1] =	wrdreg $0xFFFFFFFF  }
0xcf: {  	_ =	task.clear_ibuf [dreg:s22], $0x2FFFF;
	_ =	strace $0x9FFFFFFF  }
0xd0: {  	(tm) =	ssettm $0x7FFFFFFF  }
0xd1: {  	_ =	shalt  }
tec
execute0_lowered:
.L_overlay_start_1:
0x0: {  	(tag) =	ssettag $0x1  }
0x1: {  	s1 =	srdreg.scid;
	s0 =	stileid.u32  }
0x2: {  	s3 =	rddreg [dreg:$0x0];
	s2 =	simm.s32 $0x0;
	s8 =	simm.s32 $0x0  }
0x3: {  	s4 =	sand.u32 $0x1, s1;
	s5 =	sshll.u32 s0, $0x1;
	s1 =	rddreg [dreg:$0x1]  }
0x4: {  	[smem:$0x7FF] =	sst s2;
	s5 =	sor.u32 s4, s5;
	s4 =	ssub.s32 $0x2, s4  }
0x5: {  	s6 =	smul.u32 $0xC20, s5;
	s5 =	sshll.u32 s5, $0xE;
	s7 =	sshrl.u32 s4, $0x1  }
0x6: {  	_ =	strace $0x8000004D;
	s5 =	sadd.s32 s5, s3;
	s7 =	ssub.s32 s4, s7  }
0x7: {  	v1 =	vlaneseq.u32;
	s6 =	sadd.s32 s6, s3;
	s3 =	sadd.s32 $0x133E00, s5;
	s5 =	smax.u32 s7, $0x1  }
0x8: {  	v0 =	vimm.s32 $0x0;
	v2 =	vimm.s32 $0x1;
	v1 =	vmul.u32 $0x610, v1;
	s7 =	simm.s32 $0x8000;
	s4 =	sadd.s32 $0x1B3E00, s6;
	s6 =	simm.s32 $0x1  }
.LBB2_1:
0x9: {  	s9 =	simm.s32 $0x40;
	s10 =	simm.s32 $0x0  }
.LBB2_2:
0xa: {  	p0 =	sne.s32 s9, $0x183C0;
	[tilespmem:s10+$0x8000] =	vst v0;
	s10 =	smov.u32 s9;
	s9 =	sadd.s32 $0x40, s9  }
.Ltmp0:
0xb: {  	(pc) =	sbr.rel @p0 .LBB2_2-.Ltmp0, $2  }
0xc: {  	_ =	sdelay $0x2  }
0xd: {  	s10 =	sshra.s32 s10, $0x2  }
0xe: {  	[tilespmem:s10+$0x8000] =	vst v0;
	s9 =	simm.s32 $0x0;
	s10 =	simm.s32 $0x0  }
.LBB2_4:
0xf: {  	s11 =	sshll.u32 s10, $0xC  }
0x10: {  	s11 =	sadd.s32 s11, s3  }
0x11: {  	[tilespmem:s9], [sflag:$0x1] =	stream.linear.gather [hbm4b:s11+s9], $0x8000, $0x38;
	[tilespmem:$0xE100] =	vst v63  }
0x12: {  	_ =	swait.ge [sflag:s6], $0x8000  }
0x13: {  	s12 =	simm.s32 $0x0;
	[sflag:s6] =	ssyncset.done $0x0  }
0x14: {  	s13 =	simm.s32 $0x0;
	s11 =	simm.s32 $0x0;
	[sflag:s6] =	ssyncadd.s32 $0xFFFF8000  }
.LBB2_5:
0x15: {  	s14 =	sand.u32 $0x70, s13;
	s15 =	sand.u32 $0x7C00, s12  }
0x16: {  	s14 =	sor.u32 s14, s15  }
0x17: {  	v3 =	vld [tilespmem:s14+$0x0];
	_ =	sdelay $0x4  }
0x18: {  	vm0 =	vlt.s32 v3, $0x600  }
0x19: {  	v3 =	vadd.s32 v1, v3;
	_ =	sdelay $0x4  }
0x1a: {  	[tilespmem:v3+s7+$0x0] =	vst.idx.add.s32.msk vm0, v2  }
0x1b: {  	v3 =	vld [tilespmem:s14+$0x80];
	_ =	sdelay $0x4  }
0x1c: {  	vm9 =	vlt.s32 v3, $0x600  }
0x1d: {  	v3 =	vadd.s32 v1, v3;
	_ =	sdelay $0x4  }
0x1e: {  	[tilespmem:v3+s7+$0x0] =	vst.idx.add.s32.msk vm9, v2  }
0x1f: {  	v3 =	vld [tilespmem:s14+$0x100];
	_ =	sdelay $0x4  }
0x20: {  	vm10 =	vlt.s32 v3, $0x600  }
0x21: {  	v3 =	vadd.s32 v1, v3;
	_ =	sdelay $0x4  }
0x22: {  	[tilespmem:v3+s7+$0x0] =	vst.idx.add.s32.msk vm10, v2  }
0x23: {  	v3 =	vld [tilespmem:s14+$0x180];
	_ =	sdelay $0x4  }
0x24: {  	vm11 =	vlt.s32 v3, $0x600  }
0x25: {  	v3 =	vadd.s32 v1, v3;
	_ =	sdelay $0x4  }
0x26: {  	[tilespmem:v3+s7+$0x0] =	vst.idx.add.s32.msk vm11, v2  }
0x27: {  	v3 =	vld [tilespmem:s14+$0x200];
	_ =	sdelay $0x4  }
0x28: {  	vm12 =	vlt.s32 v3, $0x600  }
0x29: {  	v3 =	vadd.s32 v1, v3;
	_ =	sdelay $0x4  }
0x2a: {  	[tilespmem:v3+s7+$0x0] =	vst.idx.add.s32.msk vm12, v2  }
0x2b: {  	v3 =	vld [tilespmem:s14+$0x280];
	_ =	sdelay $0x4  }
0x2c: {  	vm13 =	vlt.s32 v3, $0x600  }
0x2d: {  	v3 =	vadd.s32 v1, v3;
	_ =	sdelay $0x4  }
0x2e: {  	[tilespmem:v3+s7+$0x0] =	vst.idx.add.s32.msk vm13, v2  }
0x2f: {  	v3 =	vld [tilespmem:s14+$0x300];
	_ =	sdelay $0x4  }
0x30: {  	vm14 =	vlt.s32 v3, $0x600  }
0x31: {  	v3 =	vadd.s32 v1, v3;
	_ =	sdelay $0x1  }
0x32: {  	s31 =	sand.u32 $0x7, s11  }
0x33: {  	s14 =	sshll.u32 s31, $0x4  }
0x34: {  	s14 =	sadd.s32 s14, s12  }
0x35: {  	s14 =	sor.u32 $0x380, s14;
	[tilespmem:v3+s7+$0x0] =	vst.idx.add.s32.msk vm14, v2  }
0x36: {  	v3 =	vld [tilespmem:s14+$0x0];
	_ =	sdelay $0x4  }
0x37: {  	vm15 =	vlt.s32 v3, $0x600  }
0x38: {  	p0 =	sne.s32 s13, $0xFF0;
	v3 =	vadd.s32 v1, v3  }
.Ltmp1:
0x39: {  	_ = 	snop;
	(pc) =	sbr.rel @p0 .LBB2_5-.Ltmp1, $2  }
0x3a: {  	_ =	sdelay $0x2  }
0x3b: {  	s11 =	sadd.s32 $0x1, s11;
	s13 =	sadd.s32 $0x10, s13;
	s12 =	sadd.s32 $0x80, s12;
	[tilespmem:v3+s7+$0x0] =	vst.idx.add.s32.msk vm15, v2  }
0x3c: {  	s10 =	sadd.s32 $0x1, s10  }
0x3d: {  	p0 =	sne.s32 s10, $0x4  }
.Ltmp2:
0x3e: {  	_ = 	snop;
	(pc) =	sbr.rel @p0 .LBB2_4-.Ltmp2, $1  }
0x3f: {  	_ =	sdelay $0x3  }
0x40: {  	s8 =	sadd.s32 $0x1, s8  }
0x41: {  	p0 =	sne.s32 s8, s5  }
.Ltmp3:
0x42: {  	_ = 	snop;
	(pc) =	sbr.rel @p0 .LBB2_1-.Ltmp3, $4  }
0x43: {  	[hbm4b:s4+s2] =	stream.linear.scatter [tilespmem:s7], [sflag:$0x1], $0x6100, $0x38;
	[tilespmem:$0xE100] =	vst v63  }
0x44: {  	_ =	swait.ge [sflag:s6], $0x6100  }
0x45: {  	[sflag:s6] =	ssyncset.done $0x0  }
0x46: {  	[sflag:s6] =	ssyncadd.s32 $0xFFFF9F00  }
0x47: {  	_ =	sfence.sel $0x180000  }
0x48: {  	[bflag:$0x0] =	sbarrier.arrive $0xFFFF  }
0x49: {  	p0 =	sne.s32 s0, $0x0;
	_ =	strace $0x9000004D  }
0x4a: {  	s0 =	sadd.s32 @!p0 $0x100000, s1;
	[bflag:$0x2] =	sbarrier.arrive $0xFFFF  }
0x4b: {  	[sflag:s0] =	ssyncadd.tile.s32 @!p0 $0x1;
	_ =	shalt  }
.Lfunc_end2:
_tile_overlayer_lowered:
.L_overlay_start_2:
0x4c: {  	(tag) =	ssettag $0x2  }
0x4d: {  	s0 =	rddreg [dreg:$0x0];
	s2 =	stileid.u32  }
0x4e: {  	s1 =	rddreg [dreg:$0x1];
	p0 =	sne.s32 s2, $0x0  }
0x4f: {  	s3 =	rddreg [dreg:$0x2];
	[bflag:$0x3] =	sbarrier.arrive $0xFFFF;
	s2 =	simm.s32 @!p0 $0x1C01  }
0x50: {  	[timem:s3], [sflag:s2] =	dma.local @!p0 [hbm:s0], s1  }
0x51: {  	s0 =	simm.s32 @!p0 $0x1  }
0x52: {  	_ =	swait.ge @!p0 [sflag:s0], s1  }
0x53: {  	s1 =	ssub.s32 @!p0 $0x0, s1;
	[sflag:s0] =	ssyncset.done @!p0 $0x0  }
0x54: {  	[sflag:s0] =	ssyncadd.s32 @!p0 s1  }
0x55: {  	[bflag:$0x3] =	sbarrier.arrive $0xFFFF  }
0x56: {  	_ =	shalt  }

</sc_bundles>
